<compile_context>
chip_gen: v7x
topology: tpu7x:2x2x1
jax: 0.10.2.dev20260603
libtpu: 0.0.44.dev20260713+nightly
codegen_flags: <defaults>
</compile_context>

<pallas_src>
import functools

import numpy as np

import jax
import jax.numpy as jnp
from jax import lax
from jax.experimental import pallas as pl
from jax.experimental.pallas import tpu as pltpu
from jax.experimental.pallas import tpu_sc as plsc

_info = plsc.get_sparse_core_info()
_NC, _NS, _L = _info.num_cores, _info.num_subcores, _info.num_lanes
_NW = _NC * _NS
_SW = 16
_BW = _NW // _SW
_G = 32


def _combine_body(tok_ref, trk_ref, out_ref):
    t = tok_ref[...]
    out_ref[0] = (t + trk_ref[0:1, :]).astype(jnp.bfloat16)
    out_ref[1] = (t + trk_ref[1:2, :]).astype(jnp.bfloat16)


def _make_sc_call(B, S, V, D):
    SCH = S // _SW
    BCH = B // _BW
    H = SCH // _G
    DH = D // 2
    mesh = plsc.VectorSubcoreMesh(core_axis_name="c", subcore_axis_name="s")

    def _sc_body(tok_hbm, trk_hbm, ctab_hbm, pee_hbm, peo_hbm, out_hbm,
                 idx_v, trk_v, pee_v, peo_v, buf0, buf1, obuf0, obuf1,
                 g_sem, w_sem):
        wid = lax.axis_index("s") * _NC + lax.axis_index("c")
        s0 = pl.multiple_of((wid % _SW) * SCH, SCH)
        b0 = pl.multiple_of((wid // _SW) * BCH, BCH)

        pltpu.sync_copy(tok_hbm.at[pl.ds(b0, BCH), pl.ds(s0, SCH)], idx_v)
        pltpu.sync_copy(trk_hbm.at[pl.ds(b0, BCH), pl.ds(s0, SCH)], trk_v)

        def idx_body(i, carry):
            for c in range(SCH // _L):
                sl = pl.ds(c * _L, _L)
                idx_v[i, sl] = trk_v[i, sl] * V + idx_v[i, sl]
            return carry

        lax.fori_loop(0, BCH, idx_body, 0)

        lane2 = jax.lax.iota(jnp.int32, _L) * 2

        def _wait_gather(buf):
            pltpu.make_async_copy(ctab_hbm.at[pl.ds(0, _G)], buf, g_sem).wait()

        def _wait_write(obuf):
            pltpu.make_async_copy(
                obuf, out_hbm.at[pl.ds(0, _G * D)], w_sem
            ).wait()

        def _start_gather(b, buf, h):
            pltpu.async_copy(
                ctab_hbm.at[idx_v.at[b, pl.ds(h * _G, _G)]], buf, g_sem
            )

        def _compute_and_write(b, buf, obuf, h):
            def row_body(i, c2):
                base = i * D
                for g in range(D // (2 * _L)):
                    x = buf[i, pl.ds(g * _L, _L)]
                    e = plsc.bitcast(lax.shift_left(x, 16), jnp.float32)
                    o = plsc.bitcast(
                        lax.bitwise_and(x, jnp.int32(-65536)), jnp.float32
                    )
                    sl = pl.ds(g * _L, _L)
                    e = e + pee_v[i, sl]
                    o = o + peo_v[i, sl]
                    ie = lane2 + (base + 2 * _L * g)
                    plsc.store_scatter(obuf, [ie], e)
                    plsc.store_scatter(obuf, [ie + 1], o)
                return c2

            r0 = ((b0 + b) * S + s0 + h * _G) * D
            pltpu.async_copy(obuf, out_hbm.at[pl.ds(r0, _G * D)], w_sem)

        for h in range(H):
            _start_gather(0, buf0, h)
            pltpu.sync_copy(pee_hbm.at[pl.ds(s0 + h * _G, _G)], pee_v)
            pltpu.sync_copy(peo_hbm.at[pl.ds(s0 + h * _G, _G)], peo_v)

            def pair_body(k, carry):
                b = 2 * k
                _wait_gather(buf0)
                _start_gather(b + 1, buf1, h)

                @pl.when(k >= 1)
                def _():
                    _wait_write(obuf0)

                _compute_and_write(b, buf0, obuf0, h)

                _wait_gather(buf1)

                @pl.when(k < BCH // 2 - 1)
                def _():
                    _start_gather(b + 2, buf0, h)

                @pl.when(k >= 1)
                def _():
                    _wait_write(obuf1)

                _compute_and_write(b + 1, buf1, obuf1, h)
                return carry

            lax.fori_loop(0, BCH // 2, pair_body, 0)
            _wait_write(obuf0)
            _wait_write(obuf1)

    return pl.kernel(
        _sc_body,
        out_type=jax.ShapeDtypeStruct((B * S * D,), jnp.float32),
        mesh=mesh,
        compiler_params=pltpu.CompilerParams(needs_layout_passes=False),
        scratch_types=[
            pltpu.VMEM((BCH, SCH), jnp.int32),
            pltpu.VMEM((BCH, SCH), jnp.int32),
            pltpu.VMEM((_G, DH), jnp.float32),
            pltpu.VMEM((_G, DH), jnp.float32),
            pltpu.VMEM((_G, D // 2), jnp.int32),
            pltpu.VMEM((_G, D // 2), jnp.int32),
            pltpu.VMEM((_G * D,), jnp.float32),
            pltpu.VMEM((_G * D,), jnp.float32),
            pltpu.SemaphoreType.DMA,
            pltpu.SemaphoreType.DMA,
        ],
    )


def kernel(token_ids, track_ids, token_table, track_table, pe):
    B, S = token_ids.shape
    V, D = token_table.shape
    T = track_table.shape[0]

    tok = token_ids.astype(jnp.int32)
    trk = track_ids.astype(jnp.int32)

    ctab = pl.pallas_call(
        _combine_body,
        out_shape=jax.ShapeDtypeStruct((T, V, D), jnp.bfloat16),
    )(token_table, track_table)
    ctab = lax.bitcast_convert_type(
        ctab.reshape(T * V, D // 2, 2), jnp.int32
    )

    pe2d = pe.reshape(pe.shape[1], D)[:S]
    pe_e = pe2d[:, 0::2]
    pe_o = pe2d[:, 1::2]

    out = _make_sc_call(B, S, V, D)(tok, trk, ctab, pe_e, pe_o)
    return out.reshape(B, S, D)

# --- scband reference (transcript-rebuilt; emitter-appended) ---
"""Pipeline reference for scband-music-embedding-15633680957907 (READ-ONLY COPY).

The authoritative reference and input builder live on the scoring server;
editing this copy changes nothing except your own understanding.
"""

import jax, jax.numpy as jnp
import numpy as np

B, S, V, D, T, MAXLEN = 64, 2048, 531, 512, 2, 2048

def _make_pe(max_len, d):
    position = np.arange(max_len, dtype=np.float32)[:, None]
    div_term = np.exp(np.arange(0, d, 2, dtype=np.float32) * (-np.log(10000.0) / d))
    pe = np.zeros((max_len, d), dtype=np.float32)
    pe[:, 0::2] = np.sin(position * div_term)
    pe[:, 1::2] = np.cos(position * div_term)
    return jnp.asarray(pe[None, :, :])

def _xavier_uniform(k, shape):
    fan_in, fan_out = shape[0], shape[1]
    lim = float(np.sqrt(6.0 / (fan_in + fan_out)))
    return jax.random.uniform(k, shape, jnp.float32, -lim, lim)

def setup_inputs(seed: int = 0) -> dict:
    key = jax.random.key(seed)
    k1, k2, k3, k4 = jax.random.split(key, 4)
    token_ids = jax.random.randint(k1, (B, S), 0, V)
    track_ids = jax.random.randint(k2, (B, S), 0, T)
    token_table = _xavier_uniform(k3, (V, D))
    track_table = _xavier_uniform(k4, (T, D))
    pe = _make_pe(MAXLEN, D)
    return {"token_ids": token_ids, "track_ids": track_ids,
            "token_table": token_table, "track_table": track_table, "pe": pe}

def reference(token_ids, track_ids, token_table, track_table, pe):
    # TokenEmbedding: gather from vocab table
    emb = jnp.take(token_table, token_ids, axis=0)
    # TrackEmbedding: gather from track-type table, added
    emb = emb + jnp.take(track_table, track_ids, axis=0)
    # PositionalEncoding: add sinusoidal buffer (dropout is identity in eval)
    emb = emb + pe[:, :emb.shape[1], :]
    return emb

if __name__ == "__main__":
    import jax
    _d = setup_inputs()
    print(jax.jit(kernel)(*tuple(_d.values())))

</pallas_src>

<mosaic_0001>
#map = affine_map<(d0, d1) -> (0, 0)>
#map1 = affine_map<(d0, d1) -> (0)>
module attributes {stable_mosaic.version = 14 : i64} {
  func.func @_sc_body(%arg0: i32, %arg1: i32, %arg2: memref<64x2048xi32, #tpu.memory_space<hbm>>, %arg3: memref<64x2048xi32, #tpu.memory_space<hbm>>, %arg4: memref<1062x256xi32, #tpu.memory_space<hbm>>, %arg5: memref<2048x256xf32, #tpu.memory_space<hbm>>, %arg6: memref<2048x256xf32, #tpu.memory_space<hbm>>, %arg7: memref<67108864xf32, #tpu.memory_space<hbm>>, %arg8: memref<32x128xi32, #tpu.memory_space<vmem>>, %arg9: memref<32x128xi32, #tpu.memory_space<vmem>>, %arg10: memref<32x256xf32, #tpu.memory_space<vmem>>, %arg11: memref<32x256xf32, #tpu.memory_space<vmem>>, %arg12: memref<32x256xi32, #tpu.memory_space<vmem>>, %arg13: memref<32x256xi32, #tpu.memory_space<vmem>>, %arg14: memref<16384xf32, #tpu.memory_space<vmem>>, %arg15: memref<16384xf32, #tpu.memory_space<vmem>>, %arg16: memref<!tpu.dma_semaphore, #tpu.memory_space<semaphore_mem>>, %arg17: memref<!tpu.dma_semaphore, #tpu.memory_space<semaphore_mem>>) attributes {dimension_semantics = [#tpu.dimension_semantics<core_parallel>, #tpu.dimension_semantics<subcore_parallel>], iteration_bounds = array<i64: 2, 16>, scalar_prefetch = 0 : i64, scratch_operands = 10 : i64, tpu.core_type = #tpu.core_type<sc_vector_subcore>, window_params = [{transform_indices = #map}, {transform_indices = #map}, {transform_indices = #map}, {transform_indices = #map}, {transform_indices = #map}, {transform_indices = #map1}]} {
    %mul3A = arith.constant 2 : i32
    %mul3A_0 = arith.muli %arg1, %mul3A : i32
    %add3A = arith.addi %mul3A_0, %arg0 : i32
    %jit3A = arith.constant 16 : i32
    %eq3A = arith.constant 0 : i32
    %eq3A_1 = arith.cmpi eq, %jit3A, %eq3A : i32
    %jit3A_2 = arith.constant 1 : i32
    %select_n3A = arith.select %eq3A_1, %jit3A_2, %jit3A : i32
    %rem3A = arith.remsi %add3A, %select_n3A : i32
    %ne3A = arith.constant 0 : i32
    %ne3A_3 = arith.cmpi ne, %rem3A, %ne3A : i32
    %lt3A = arith.constant 0 : i32
    %lt3A_4 = arith.cmpi slt, %rem3A, %lt3A : i32
    %lt3A_5 = arith.constant 0 : i32
    %lt3A_6 = arith.cmpi slt, %select_n3A, %lt3A_5 : i32
    %ne3A_7 = arith.xori %lt3A_4, %lt3A_6 : i1
    %and3A = arith.andi %ne3A_7, %ne3A_3 : i1
    %add3A_8 = arith.addi %rem3A, %select_n3A : i32
    %select_n3A_9 = arith.select %and3A, %add3A_8, %rem3A : i32
    %mul3A_10 = arith.constant 128 : i32
    %mul3A_11 = arith.muli %select_n3A_9, %mul3A_10 : i32
    %multiple_of3A = tpu.assume_multiple %mul3A_11, 128 : i32
    %jit3A_12 = arith.constant 16 : i32
    %div3A = arith.divsi %add3A, %jit3A_12 : i32
    %sign3A = arith.constant 0 : i32
    %sign3A_13 = arith.cmpi sgt, %add3A, %sign3A : i32
    %sign3A_14 = arith.extui %sign3A_13 : i1 to i32
    %sign3A_15 = arith.constant 0 : i32
    %sign3A_16 = arith.cmpi slt, %add3A, %sign3A_15 : i32
    %sign3A_17 = arith.extui %sign3A_16 : i1 to i32
    %sign3A_18 = arith.subi %sign3A_14, %sign3A_17 : i32
    %sign3A_19 = arith.constant 0 : i32
    %sign3A_20 = arith.cmpi sgt, %jit3A_12, %sign3A_19 : i32
    %sign3A_21 = arith.extui %sign3A_20 : i1 to i32
    %sign3A_22 = arith.constant 0 : i32
    %sign3A_23 = arith.cmpi slt, %jit3A_12, %sign3A_22 : i32
    %sign3A_24 = arith.extui %sign3A_23 : i1 to i32
    %sign3A_25 = arith.subi %sign3A_21, %sign3A_24 : i32
    %ne3A_26 = arith.cmpi ne, %sign3A_18, %sign3A_25 : i32
    %rem3A_27 = arith.remsi %add3A, %jit3A_12 : i32
    %ne3A_28 = arith.constant 0 : i32
    %ne3A_29 = arith.cmpi ne, %rem3A_27, %ne3A_28 : i32
    %and3A_30 = arith.andi %ne3A_26, %ne3A_29 : i1
    %sub3A = arith.constant 1 : i32
    %sub3A_31 = arith.subi %div3A, %sub3A : i32
    %select_n3A_32 = arith.select %and3A_30, %sub3A_31, %div3A : i32
    %mul3A_33 = arith.constant 32 : i32
    %mul3A_34 = arith.muli %select_n3A_32, %mul3A_33 : i32
    %multiple_of3A_35 = tpu.assume_multiple %mul3A_34, 32 : i32
    "tpu.region"() ({
      %run_scoped3A = tpu.sem_alloc : memref<!tpu.dma_semaphore, #tpu.memory_space<semaphore_mem>>
      %dma_start3A_142 = tpu.memref_slice %arg2[%multiple_of3A_35, %multiple_of3A] : memref<64x2048xi32, #tpu.memory_space<hbm>> -> memref<32x128xi32, #tpu.memory_space<hbm>>
      %dma_start3A_143 = tpu.memref_slice %arg2[%multiple_of3A_35, %multiple_of3A] : memref<64x2048xi32, #tpu.memory_space<hbm>> -> memref<32x128xi32, #tpu.memory_space<hbm>>
      tpu.enqueue_dma source(%dma_start3A_143 : memref<32x128xi32, #tpu.memory_space<hbm>>) target(%arg8 : memref<32x128xi32, #tpu.memory_space<vmem>>) target_semaphore(%run_scoped3A : memref<!tpu.dma_semaphore, #tpu.memory_space<semaphore_mem>>)
      %dma_wait3A_144 = tpu.memref_slice %arg2[%multiple_of3A_35, %multiple_of3A] : memref<64x2048xi32, #tpu.memory_space<hbm>> -> memref<32x128xi32, #tpu.memory_space<hbm>>
      %dma_wait3A_145 = tpu.memref_slice %arg2[%multiple_of3A_35, %multiple_of3A] : memref<64x2048xi32, #tpu.memory_space<hbm>> -> memref<32x128xi32, #tpu.memory_space<hbm>>
      tpu.wait_dma2 semaphore(%run_scoped3A : memref<!tpu.dma_semaphore, #tpu.memory_space<semaphore_mem>>) src(%dma_wait3A_145 : memref<32x128xi32, #tpu.memory_space<hbm>>) dst(%arg8 : memref<32x128xi32, #tpu.memory_space<vmem>>)
      tpu.yield
    }) : () -> ()
    "tpu.region"() ({
      %run_scoped3A = tpu.sem_alloc : memref<!tpu.dma_semaphore, #tpu.memory_space<semaphore_mem>>
      %dma_start3A_142 = tpu.memref_slice %arg3[%multiple_of3A_35, %multiple_of3A] : memref<64x2048xi32, #tpu.memory_space<hbm>> -> memref<32x128xi32, #tpu.memory_space<hbm>>
      %dma_start3A_143 = tpu.memref_slice %arg3[%multiple_of3A_35, %multiple_of3A] : memref<64x2048xi32, #tpu.memory_space<hbm>> -> memref<32x128xi32, #tpu.memory_space<hbm>>
      tpu.enqueue_dma source(%dma_start3A_143 : memref<32x128xi32, #tpu.memory_space<hbm>>) target(%arg9 : memref<32x128xi32, #tpu.memory_space<vmem>>) target_semaphore(%run_scoped3A : memref<!tpu.dma_semaphore, #tpu.memory_space<semaphore_mem>>)
      %dma_wait3A_144 = tpu.memref_slice %arg3[%multiple_of3A_35, %multiple_of3A] : memref<64x2048xi32, #tpu.memory_space<hbm>> -> memref<32x128xi32, #tpu.memory_space<hbm>>
      %dma_wait3A_145 = tpu.memref_slice %arg3[%multiple_of3A_35, %multiple_of3A] : memref<64x2048xi32, #tpu.memory_space<hbm>> -> memref<32x128xi32, #tpu.memory_space<hbm>>
      tpu.wait_dma2 semaphore(%run_scoped3A : memref<!tpu.dma_semaphore, #tpu.memory_space<semaphore_mem>>) src(%dma_wait3A_145 : memref<32x128xi32, #tpu.memory_space<hbm>>) dst(%arg9 : memref<32x128xi32, #tpu.memory_space<vmem>>)
      tpu.yield
    }) : () -> ()
    %scan3A = arith.constant 0 : i32
    %scan3A_36 = arith.constant 0 : i32
    %scan3A_37 = arith.constant 32 : i32
    %scan3A_38 = arith.addi %scan3A_36, %scan3A_37 : i32
    %scan3A_39 = arith.constant 1 : i32
    scf.for %scan3A_142 = %scan3A_36 to %scan3A_38 step %scan3A_39  : i32 {
      %get3A = arith.index_cast %scan3A_142 : i32 to index
      %get3A_143 = arith.constant 0 : index
      %get3A_144 = tpu.vector_load %arg9[%get3A, %get3A_143] {strides = array<i32>} : memref<32x128xi32, #tpu.memory_space<vmem>>, vector<16xi32>,
      %mul3A_145 = arith.constant 531 : i32
      %mul3A_146 = vector.broadcast %mul3A_145 : i32 to vector<16xi32>
      %mul3A_147 = arith.muli %get3A_144, %mul3A_146 : vector<16xi32>
      %get3A_148 = arith.index_cast %scan3A_142 : i32 to index
      %get3A_149 = arith.constant 0 : index
      %get3A_150 = tpu.vector_load %arg8[%get3A_148, %get3A_149] {strides = array<i32>} : memref<32x128xi32, #tpu.memory_space<vmem>>, vector<16xi32>,
      %add3A_151 = arith.addi %mul3A_147, %get3A_150 : vector<16xi32>
      %swap3A = arith.index_cast %scan3A_142 : i32 to index
      %swap3A_152 = arith.constant 0 : index
      %swap3A_153 = tpu.vector_load %arg8[%swap3A, %swap3A_152] {strides = array<i32>} : memref<32x128xi32, #tpu.memory_space<vmem>>, vector<16xi32>,
      tpu.vector_store %arg8[%swap3A, %swap3A_152], %add3A_151 {strides = array<i32>} : memref<32x128xi32, #tpu.memory_space<vmem>>, vector<16xi32>,
      %get3A_154 = arith.index_cast %scan3A_142 : i32 to index
      %get3A_155 = arith.constant 16 : index
      %get3A_156 = tpu.vector_load %arg9[%get3A_154, %get3A_155] {strides = array<i32>} : memref<32x128xi32, #tpu.memory_space<vmem>>, vector<16xi32>,
      %mul3A_157 = arith.constant 531 : i32
      %mul3A_158 = vector.broadcast %mul3A_157 : i32 to vector<16xi32>
      %mul3A_159 = arith.muli %get3A_156, %mul3A_158 : vector<16xi32>
      %get3A_160 = arith.index_cast %scan3A_142 : i32 to index
      %get3A_161 = arith.constant 16 : index
      %get3A_162 = tpu.vector_load %arg8[%get3A_160, %get3A_161] {strides = array<i32>} : memref<32x128xi32, #tpu.memory_space<vmem>>, vector<16xi32>,
      %add3A_163 = arith.addi %mul3A_159, %get3A_162 : vector<16xi32>
      %swap3A_164 = arith.index_cast %scan3A_142 : i32 to index
      %swap3A_165 = arith.constant 16 : index
      %swap3A_166 = tpu.vector_load %arg8[%swap3A_164, %swap3A_165] {strides = array<i32>} : memref<32x128xi32, #tpu.memory_space<vmem>>, vector<16xi32>,
      tpu.vector_store %arg8[%swap3A_164, %swap3A_165], %add3A_163 {strides = array<i32>} : memref<32x128xi32, #tpu.memory_space<vmem>>, vector<16xi32>,
      %get3A_167 = arith.index_cast %scan3A_142 : i32 to index
      %get3A_168 = arith.constant 32 : index
      %get3A_169 = tpu.vector_load %arg9[%get3A_167, %get3A_168] {strides = array<i32>} : memref<32x128xi32, #tpu.memory_space<vmem>>, vector<16xi32>,
      %mul3A_170 = arith.constant 531 : i32
      %mul3A_171 = vector.broadcast %mul3A_170 : i32 to vector<16xi32>
      %mul3A_172 = arith.muli %get3A_169, %mul3A_171 : vector<16xi32>
      %get3A_173 = arith.index_cast %scan3A_142 : i32 to index
      %get3A_174 = arith.constant 32 : index
      %get3A_175 = tpu.vector_load %arg8[%get3A_173, %get3A_174] {strides = array<i32>} : memref<32x128xi32, #tpu.memory_space<vmem>>, vector<16xi32>,
      %add3A_176 = arith.addi %mul3A_172, %get3A_175 : vector<16xi32>
      %swap3A_177 = arith.index_cast %scan3A_142 : i32 to index
      %swap3A_178 = arith.constant 32 : index
      %swap3A_179 = tpu.vector_load %arg8[%swap3A_177, %swap3A_178] {strides = array<i32>} : memref<32x128xi32, #tpu.memory_space<vmem>>, vector<16xi32>,
      tpu.vector_store %arg8[%swap3A_177, %swap3A_178], %add3A_176 {strides = array<i32>} : memref<32x128xi32, #tpu.memory_space<vmem>>, vector<16xi32>,
      %get3A_180 = arith.index_cast %scan3A_142 : i32 to index
      %get3A_181 = arith.constant 48 : index
      %get3A_182 = tpu.vector_load %arg9[%get3A_180, %get3A_181] {strides = array<i32>} : memref<32x128xi32, #tpu.memory_space<vmem>>, vector<16xi32>,
      %mul3A_183 = arith.constant 531 : i32
      %mul3A_184 = vector.broadcast %mul3A_183 : i32 to vector<16xi32>
      %mul3A_185 = arith.muli %get3A_182, %mul3A_184 : vector<16xi32>
      %get3A_186 = arith.index_cast %scan3A_142 : i32 to index
      %get3A_187 = arith.constant 48 : index
      %get3A_188 = tpu.vector_load %arg8[%get3A_186, %get3A_187] {strides = array<i32>} : memref<32x128xi32, #tpu.memory_space<vmem>>, vector<16xi32>,
      %add3A_189 = arith.addi %mul3A_185, %get3A_188 : vector<16xi32>
      %swap3A_190 = arith.index_cast %scan3A_142 : i32 to index
      %swap3A_191 = arith.constant 48 : index
      %swap3A_192 = tpu.vector_load %arg8[%swap3A_190, %swap3A_191] {strides = array<i32>} : memref<32x128xi32, #tpu.memory_space<vmem>>, vector<16xi32>,
      tpu.vector_store %arg8[%swap3A_190, %swap3A_191], %add3A_189 {strides = array<i32>} : memref<32x128xi32, #tpu.memory_space<vmem>>, vector<16xi32>,
      %get3A_193 = arith.index_cast %scan3A_142 : i32 to index
      %get3A_194 = arith.constant 64 : index
      %get3A_195 = tpu.vector_load %arg9[%get3A_193, %get3A_194] {strides = array<i32>} : memref<32x128xi32, #tpu.memory_space<vmem>>, vector<16xi32>,
      %mul3A_196 = arith.constant 531 : i32
      %mul3A_197 = vector.broadcast %mul3A_196 : i32 to vector<16xi32>
      %mul3A_198 = arith.muli %get3A_195, %mul3A_197 : vector<16xi32>
      %get3A_199 = arith.index_cast %scan3A_142 : i32 to index
      %get3A_200 = arith.constant 64 : index
      %get3A_201 = tpu.vector_load %arg8[%get3A_199, %get3A_200] {strides = array<i32>} : memref<32x128xi32, #tpu.memory_space<vmem>>, vector<16xi32>,
      %add3A_202 = arith.addi %mul3A_198, %get3A_201 : vector<16xi32>
      %swap3A_203 = arith.index_cast %scan3A_142 : i32 to index
      %swap3A_204 = arith.constant 64 : index
      %swap3A_205 = tpu.vector_load %arg8[%swap3A_203, %swap3A_204] {strides = array<i32>} : memref<32x128xi32, #tpu.memory_space<vmem>>, vector<16xi32>,
      tpu.vector_store %arg8[%swap3A_203, %swap3A_204], %add3A_202 {strides = array<i32>} : memref<32x128xi32, #tpu.memory_space<vmem>>, vector<16xi32>,
      %get3A_206 = arith.index_cast %scan3A_142 : i32 to index
      %get3A_207 = arith.constant 80 : index
      %get3A_208 = tpu.vector_load %arg9[%get3A_206, %get3A_207] {strides = array<i32>} : memref<32x128xi32, #tpu.memory_space<vmem>>, vector<16xi32>,
      %mul3A_209 = arith.constant 531 : i32
      %mul3A_210 = vector.broadcast %mul3A_209 : i32 to vector<16xi32>
      %mul3A_211 = arith.muli %get3A_208, %mul3A_210 : vector<16xi32>
      %get3A_212 = arith.index_cast %scan3A_142 : i32 to index
      %get3A_213 = arith.constant 80 : index
      %get3A_214 = tpu.vector_load %arg8[%get3A_212, %get3A_213] {strides = array<i32>} : memref<32x128xi32, #tpu.memory_space<vmem>>, vector<16xi32>,
      %add3A_215 = arith.addi %mul3A_211, %get3A_214 : vector<16xi32>
      %swap3A_216 = arith.index_cast %scan3A_142 : i32 to index
      %swap3A_217 = arith.constant 80 : index
      %swap3A_218 = tpu.vector_load %arg8[%swap3A_216, %swap3A_217] {strides = array<i32>} : memref<32x128xi32, #tpu.memory_space<vmem>>, vector<16xi32>,
      tpu.vector_store %arg8[%swap3A_216, %swap3A_217], %add3A_215 {strides = array<i32>} : memref<32x128xi32, #tpu.memory_space<vmem>>, vector<16xi32>,
      %get3A_219 = arith.index_cast %scan3A_142 : i32 to index
      %get3A_220 = arith.constant 96 : index
      %get3A_221 = tpu.vector_load %arg9[%get3A_219, %get3A_220] {strides = array<i32>} : memref<32x128xi32, #tpu.memory_space<vmem>>, vector<16xi32>,
      %mul3A_222 = arith.constant 531 : i32
      %mul3A_223 = vector.broadcast %mul3A_222 : i32 to vector<16xi32>
      %mul3A_224 = arith.muli %get3A_221, %mul3A_223 : vector<16xi32>
      %get3A_225 = arith.index_cast %scan3A_142 : i32 to index
      %get3A_226 = arith.constant 96 : index
      %get3A_227 = tpu.vector_load %arg8[%get3A_225, %get3A_226] {strides = array<i32>} : memref<32x128xi32, #tpu.memory_space<vmem>>, vector<16xi32>,
      %add3A_228 = arith.addi %mul3A_224, %get3A_227 : vector<16xi32>
      %swap3A_229 = arith.index_cast %scan3A_142 : i32 to index
      %swap3A_230 = arith.constant 96 : index
      %swap3A_231 = tpu.vector_load %arg8[%swap3A_229, %swap3A_230] {strides = array<i32>} : memref<32x128xi32, #tpu.memory_space<vmem>>, vector<16xi32>,
      tpu.vector_store %arg8[%swap3A_229, %swap3A_230], %add3A_228 {strides = array<i32>} : memref<32x128xi32, #tpu.memory_space<vmem>>, vector<16xi32>,
      %get3A_232 = arith.index_cast %scan3A_142 : i32 to index
      %get3A_233 = arith.constant 112 : index
      %get3A_234 = tpu.vector_load %arg9[%get3A_232, %get3A_233] {strides = array<i32>} : memref<32x128xi32, #tpu.memory_space<vmem>>, vector<16xi32>,
      %mul3A_235 = arith.constant 531 : i32
      %mul3A_236 = vector.broadcast %mul3A_235 : i32 to vector<16xi32>
      %mul3A_237 = arith.muli %get3A_234, %mul3A_236 : vector<16xi32>
      %get3A_238 = arith.index_cast %scan3A_142 : i32 to index
      %get3A_239 = arith.constant 112 : index
      %get3A_240 = tpu.vector_load %arg8[%get3A_238, %get3A_239] {strides = array<i32>} : memref<32x128xi32, #tpu.memory_space<vmem>>, vector<16xi32>,
      %add3A_241 = arith.addi %mul3A_237, %get3A_240 : vector<16xi32>
      %swap3A_242 = arith.index_cast %scan3A_142 : i32 to index
      %swap3A_243 = arith.constant 112 : index
      %swap3A_244 = tpu.vector_load %arg8[%swap3A_242, %swap3A_243] {strides = array<i32>} : memref<32x128xi32, #tpu.memory_space<vmem>>, vector<16xi32>,
      tpu.vector_store %arg8[%swap3A_242, %swap3A_243], %add3A_241 {strides = array<i32>} : memref<32x128xi32, #tpu.memory_space<vmem>>, vector<16xi32>,
    }
    %scan3A_40 = arith.constant 32 : i32
    %iota3A = tpu.iota {dimensions = array<i32: 0>} : vector<16xi32>
    %mul3A_41 = arith.constant 2 : i32
    %mul3A_42 = vector.broadcast %mul3A_41 : i32 to vector<16xi32>
    %mul3A_43 = arith.muli %iota3A, %mul3A_42 : vector<16xi32>
    %dma_start3A = arith.constant 0 : i32
    %dma_start3A_44 = arith.constant 0 : i32
    %dma_start3A_45 = tpu.memref_slice %arg8[%dma_start3A, %dma_start3A_44] : memref<32x128xi32, #tpu.memory_space<vmem>> -> memref<1x32xi32, #tpu.memory_space<vmem>>
    %dma_start3A_46 = tpu.memref_squeeze %dma_start3A_45 : memref<1x32xi32, #tpu.memory_space<vmem>> -> memref<32xi32, #tpu.memory_space<vmem>>
    %dma_start3A_47 = arith.constant 0 : i32
    %dma_start3A_48 = arith.constant 0 : i32
    %dma_start3A_49 = tpu.memref_slice %arg4[%dma_start3A_47, %dma_start3A_48] : memref<1062x256xi32, #tpu.memory_space<hbm>> -> memref<1062x256xi32, #tpu.memory_space<hbm>>
    tpu.enqueue_indirect_dma source(%dma_start3A_49 : memref<1062x256xi32, #tpu.memory_space<hbm>>) target(%arg12 : memref<32x256xi32, #tpu.memory_space<vmem>>) offsets(%dma_start3A_46 : memref<32xi32, #tpu.memory_space<vmem>>) semaphore(%arg16 : memref<!tpu.dma_semaphore, #tpu.memory_space<semaphore_mem>>)
    %add3A_50 = arith.constant 0 : i32
    %add3A_51 = arith.addi %multiple_of3A, %add3A_50 : i32
    "tpu.region"() ({
      %run_scoped3A = tpu.sem_alloc : memref<!tpu.dma_semaphore, #tpu.memory_space<semaphore_mem>>
      %dma_start3A_142 = arith.constant 0 : i32
      %dma_start3A_143 = tpu.memref_slice %arg5[%add3A_51, %dma_start3A_142] : memref<2048x256xf32, #tpu.memory_space<hbm>> -> memref<32x256xf32, #tpu.memory_space<hbm>>
      %dma_start3A_144 = arith.constant 0 : i32
      %dma_start3A_145 = tpu.memref_slice %arg5[%add3A_51, %dma_start3A_144] : memref<2048x256xf32, #tpu.memory_space<hbm>> -> memref<32x256xf32, #tpu.memory_space<hbm>>
      tpu.enqueue_dma source(%dma_start3A_145 : memref<32x256xf32, #tpu.memory_space<hbm>>) target(%arg10 : memref<32x256xf32, #tpu.memory_space<vmem>>) target_semaphore(%run_scoped3A : memref<!tpu.dma_semaphore, #tpu.memory_space<semaphore_mem>>)
      %dma_wait3A_146 = arith.constant 0 : i32
      %dma_wait3A_147 = tpu.memref_slice %arg5[%add3A_51, %dma_wait3A_146] : memref<2048x256xf32, #tpu.memory_space<hbm>> -> memref<32x256xf32, #tpu.memory_space<hbm>>
      %dma_wait3A_148 = arith.constant 0 : i32
      %dma_wait3A_149 = tpu.memref_slice %arg5[%add3A_51, %dma_wait3A_148] : memref<2048x256xf32, #tpu.memory_space<hbm>> -> memref<32x256xf32, #tpu.memory_space<hbm>>
      tpu.wait_dma2 semaphore(%run_scoped3A : memref<!tpu.dma_semaphore, #tpu.memory_space<semaphore_mem>>) src(%dma_wait3A_149 : memref<32x256xf32, #tpu.memory_space<hbm>>) dst(%arg10 : memref<32x256xf32, #tpu.memory_space<vmem>>)
      tpu.yield
    }) : () -> ()
    %add3A_52 = arith.constant 0 : i32
    %add3A_53 = arith.addi %multiple_of3A, %add3A_52 : i32
    "tpu.region"() ({
      %run_scoped3A = tpu.sem_alloc : memref<!tpu.dma_semaphore, #tpu.memory_space<semaphore_mem>>
      %dma_start3A_142 = arith.constant 0 : i32
      %dma_start3A_143 = tpu.memref_slice %arg6[%add3A_53, %dma_start3A_142] : memref<2048x256xf32, #tpu.memory_space<hbm>> -> memref<32x256xf32, #tpu.memory_space<hbm>>
      %dma_start3A_144 = arith.constant 0 : i32
      %dma_start3A_145 = tpu.memref_slice %arg6[%add3A_53, %dma_start3A_144] : memref<2048x256xf32, #tpu.memory_space<hbm>> -> memref<32x256xf32, #tpu.memory_space<hbm>>
      tpu.enqueue_dma source(%dma_start3A_145 : memref<32x256xf32, #tpu.memory_space<hbm>>) target(%arg11 : memref<32x256xf32, #tpu.memory_space<vmem>>) target_semaphore(%run_scoped3A : memref<!tpu.dma_semaphore, #tpu.memory_space<semaphore_mem>>)
      %dma_wait3A_146 = arith.constant 0 : i32
      %dma_wait3A_147 = tpu.memref_slice %arg6[%add3A_53, %dma_wait3A_146] : memref<2048x256xf32, #tpu.memory_space<hbm>> -> memref<32x256xf32, #tpu.memory_space<hbm>>
      %dma_wait3A_148 = arith.constant 0 : i32
      %dma_wait3A_149 = tpu.memref_slice %arg6[%add3A_53, %dma_wait3A_148] : memref<2048x256xf32, #tpu.memory_space<hbm>> -> memref<32x256xf32, #tpu.memory_space<hbm>>
      tpu.wait_dma2 semaphore(%run_scoped3A : memref<!tpu.dma_semaphore, #tpu.memory_space<semaphore_mem>>) src(%dma_wait3A_149 : memref<32x256xf32, #tpu.memory_space<hbm>>) dst(%arg11 : memref<32x256xf32, #tpu.memory_space<vmem>>)
      tpu.yield
    }) : () -> ()
    %scan3A_54 = arith.constant 0 : i32
    %scan3A_55 = arith.constant 0 : i32
    %scan3A_56 = arith.constant 16 : i32
    %scan3A_57 = arith.addi %scan3A_55, %scan3A_56 : i32
    %scan3A_58 = arith.constant 1 : i32
    scf.for %scan3A_142 = %scan3A_55 to %scan3A_57 step %scan3A_58  : i32 {
      %mul3A_143 = arith.constant 2 : i32
      %mul3A_144 = arith.muli %mul3A_143, %scan3A_142 : i32
      %dma_wait3A_145 = arith.constant 0 : i32
      %dma_wait3A_146 = arith.constant 0 : i32
      %dma_wait3A_147 = tpu.memref_slice %arg4[%dma_wait3A_145, %dma_wait3A_146] : memref<1062x256xi32, #tpu.memory_space<hbm>> -> memref<32x256xi32, #tpu.memory_space<hbm>>
      %dma_wait3A_148 = arith.constant 0 : i32
      %dma_wait3A_149 = arith.constant 0 : i32
      %dma_wait3A_150 = tpu.memref_slice %arg4[%dma_wait3A_148, %dma_wait3A_149] : memref<1062x256xi32, #tpu.memory_space<hbm>> -> memref<32x256xi32, #tpu.memory_space<hbm>>
      tpu.wait_dma2 semaphore(%arg16 : memref<!tpu.dma_semaphore, #tpu.memory_space<semaphore_mem>>) src(%dma_wait3A_150 : memref<32x256xi32, #tpu.memory_space<hbm>>) dst(%arg12 : memref<32x256xi32, #tpu.memory_space<vmem>>)
      %add3A_151 = arith.constant 1 : i32
      %add3A_152 = arith.addi %mul3A_144, %add3A_151 : i32
      %dma_start3A_153 = arith.constant 0 : i32
      %dma_start3A_154 = tpu.memref_slice %arg8[%add3A_152, %dma_start3A_153] : memref<32x128xi32, #tpu.memory_space<vmem>> -> memref<1x32xi32, #tpu.memory_space<vmem>>
      %dma_start3A_155 = tpu.memref_squeeze %dma_start3A_154 : memref<1x32xi32, #tpu.memory_space<vmem>> -> memref<32xi32, #tpu.memory_space<vmem>>
      %dma_start3A_156 = arith.constant 0 : i32
      %dma_start3A_157 = arith.constant 0 : i32
      %dma_start3A_158 = tpu.memref_slice %arg4[%dma_start3A_156, %dma_start3A_157] : memref<1062x256xi32, #tpu.memory_space<hbm>> -> memref<1062x256xi32, #tpu.memory_space<hbm>>
      tpu.enqueue_indirect_dma source(%dma_start3A_158 : memref<1062x256xi32, #tpu.memory_space<hbm>>) target(%arg13 : memref<32x256xi32, #tpu.memory_space<vmem>>) offsets(%dma_start3A_155 : memref<32xi32, #tpu.memory_space<vmem>>) semaphore(%arg16 : memref<!tpu.dma_semaphore, #tpu.memory_space<semaphore_mem>>)
      %ge3A = arith.constant 1 : i32
      %ge3A_159 = arith.cmpi sge, %scan3A_142, %ge3A : i32
      %convert_element_type3A = arith.extui %ge3A_159 : i1 to i32
      %cond3A = arith.constant 0 : i32
      %cond3A_160 = arith.cmpi ne, %convert_element_type3A, %cond3A : i32
      scf.if %cond3A_160 {
        %dma_wait3A_199 = arith.constant 0 : i32
        %dma_wait3A_200 = tpu.memref_slice %arg7[%dma_wait3A_199] : memref<67108864xf32, #tpu.memory_space<hbm>> -> memref<16384xf32, #tpu.memory_space<hbm>>
        %dma_wait3A_201 = arith.constant 0 : i32
        %dma_wait3A_202 = tpu.memref_slice %arg7[%dma_wait3A_201] : memref<67108864xf32, #tpu.memory_space<hbm>> -> memref<16384xf32, #tpu.memory_space<hbm>>
        tpu.wait_dma2 semaphore(%arg17 : memref<!tpu.dma_semaphore, #tpu.memory_space<semaphore_mem>>) src(%arg14 : memref<16384xf32, #tpu.memory_space<vmem>>) dst(%dma_wait3A_202 : memref<16384xf32, #tpu.memory_space<hbm>>)
      } else {
      }
      %add3A_161 = arith.addi %multiple_of3A_35, %mul3A_144 : i32
      %mul3A_162 = arith.constant 2048 : i32
      %mul3A_163 = arith.muli %add3A_161, %mul3A_162 : i32
      %add3A_164 = arith.addi %mul3A_163, %multiple_of3A : i32
      %add3A_165 = arith.constant 0 : i32
      %add3A_166 = arith.addi %add3A_164, %add3A_165 : i32
      %mul3A_167 = arith.constant 512 : i32
      %mul3A_168 = arith.muli %add3A_166, %mul3A_167 : i32
      %dma_start3A_169 = tpu.memref_slice %arg7[%mul3A_168] : memref<67108864xf32, #tpu.memory_space<hbm>> -> memref<16384xf32, #tpu.memory_space<hbm>>
      %dma_start3A_170 = tpu.memref_slice %arg7[%mul3A_168] : memref<67108864xf32, #tpu.memory_space<hbm>> -> memref<16384xf32, #tpu.memory_space<hbm>>
      tpu.enqueue_dma source(%arg14 : memref<16384xf32, #tpu.memory_space<vmem>>) target(%dma_start3A_170 : memref<16384xf32, #tpu.memory_space<hbm>>) target_semaphore(%arg17 : memref<!tpu.dma_semaphore, #tpu.memory_space<semaphore_mem>>)
      %dma_wait3A_171 = arith.constant 0 : i32
      %dma_wait3A_172 = arith.constant 0 : i32
      %dma_wait3A_173 = tpu.memref_slice %arg4[%dma_wait3A_171, %dma_wait3A_172] : memref<1062x256xi32, #tpu.memory_space<hbm>> -> memref<32x256xi32, #tpu.memory_space<hbm>>
      %dma_wait3A_174 = arith.constant 0 : i32
      %dma_wait3A_175 = arith.constant 0 : i32
      %dma_wait3A_176 = tpu.memref_slice %arg4[%dma_wait3A_174, %dma_wait3A_175] : memref<1062x256xi32, #tpu.memory_space<hbm>> -> memref<32x256xi32, #tpu.memory_space<hbm>>
      tpu.wait_dma2 semaphore(%arg16 : memref<!tpu.dma_semaphore, #tpu.memory_space<semaphore_mem>>) src(%dma_wait3A_176 : memref<32x256xi32, #tpu.memory_space<hbm>>) dst(%arg13 : memref<32x256xi32, #tpu.memory_space<vmem>>)
      %lt3A_177 = arith.constant 15 : i32
      %lt3A_178 = arith.cmpi slt, %scan3A_142, %lt3A_177 : i32
      %convert_element_type3A_179 = arith.extui %lt3A_178 : i1 to i32
      %cond3A_180 = arith.constant 0 : i32
      %cond3A_181 = arith.cmpi ne, %convert_element_type3A_179, %cond3A_180 : i32
      scf.if %cond3A_181 {
        %add3A_199 = arith.constant 2 : i32
        %add3A_200 = arith.addi %mul3A_144, %add3A_199 : i32
        %dma_start3A_201 = arith.constant 0 : i32
        %dma_start3A_202 = tpu.memref_slice %arg8[%add3A_200, %dma_start3A_201] : memref<32x128xi32, #tpu.memory_space<vmem>> -> memref<1x32xi32, #tpu.memory_space<vmem>>
        %dma_start3A_203 = tpu.memref_squeeze %dma_start3A_202 : memref<1x32xi32, #tpu.memory_space<vmem>> -> memref<32xi32, #tpu.memory_space<vmem>>
        %dma_start3A_204 = arith.constant 0 : i32
        %dma_start3A_205 = arith.constant 0 : i32
        %dma_start3A_206 = tpu.memref_slice %arg4[%dma_start3A_204, %dma_start3A_205] : memref<1062x256xi32, #tpu.memory_space<hbm>> -> memref<1062x256xi32, #tpu.memory_space<hbm>>
        tpu.enqueue_indirect_dma source(%dma_start3A_206 : memref<1062x256xi32, #tpu.memory_space<hbm>>) target(%arg12 : memref<32x256xi32, #tpu.memory_space<vmem>>) offsets(%dma_start3A_203 : memref<32xi32, #tpu.memory_space<vmem>>) semaphore(%arg16 : memref<!tpu.dma_semaphore, #tpu.memory_space<semaphore_mem>>)
      } else {
      }
      %ge3A_182 = arith.constant 1 : i32
      %ge3A_183 = arith.cmpi sge, %scan3A_142, %ge3A_182 : i32
      %convert_element_type3A_184 = arith.extui %ge3A_183 : i1 to i32
      %cond3A_185 = arith.constant 0 : i32
      %cond3A_186 = arith.cmpi ne, %convert_element_type3A_184, %cond3A_185 : i32
      scf.if %cond3A_186 {
        %dma_wait3A_199 = arith.constant 0 : i32
        %dma_wait3A_200 = tpu.memref_slice %arg7[%dma_wait3A_199] : memref<67108864xf32, #tpu.memory_space<hbm>> -> memref<16384xf32, #tpu.memory_space<hbm>>
        %dma_wait3A_201 = arith.constant 0 : i32
        %dma_wait3A_202 = tpu.memref_slice %arg7[%dma_wait3A_201] : memref<67108864xf32, #tpu.memory_space<hbm>> -> memref<16384xf32, #tpu.memory_space<hbm>>
        tpu.wait_dma2 semaphore(%arg17 : memref<!tpu.dma_semaphore, #tpu.memory_space<semaphore_mem>>) src(%arg15 : memref<16384xf32, #tpu.memory_space<vmem>>) dst(%dma_wait3A_202 : memref<16384xf32, #tpu.memory_space<hbm>>)
      } else {
      }
      %add3A_187 = arith.constant 1 : i32
      %add3A_188 = arith.addi %mul3A_144, %add3A_187 : i32
      %add3A_189 = arith.addi %multiple_of3A_35, %add3A_188 : i32
      %mul3A_190 = arith.constant 2048 : i32
      %mul3A_191 = arith.muli %add3A_189, %mul3A_190 : i32
      %add3A_192 = arith.addi %mul3A_191, %multiple_of3A : i32
      %add3A_193 = arith.constant 0 : i32
      %add3A_194 = arith.addi %add3A_192, %add3A_193 : i32
      %mul3A_195 = arith.constant 512 : i32
      %mul3A_196 = arith.muli %add3A_194, %mul3A_195 : i32
      %dma_start3A_197 = tpu.memref_slice %arg7[%mul3A_196] : memref<67108864xf32, #tpu.memory_space<hbm>> -> memref<16384xf32, #tpu.memory_space<hbm>>
      %dma_start3A_198 = tpu.memref_slice %arg7[%mul3A_196] : memref<67108864xf32, #tpu.memory_space<hbm>> -> memref<16384xf32, #tpu.memory_space<hbm>>
      tpu.enqueue_dma source(%arg15 : memref<16384xf32, #tpu.memory_space<vmem>>) target(%dma_start3A_198 : memref<16384xf32, #tpu.memory_space<hbm>>) target_semaphore(%arg17 : memref<!tpu.dma_semaphore, #tpu.memory_space<semaphore_mem>>)
    }
    %scan3A_59 = arith.constant 16 : i32
    %dma_wait3A = arith.constant 0 : i32
    %dma_wait3A_60 = tpu.memref_slice %arg7[%dma_wait3A] : memref<67108864xf32, #tpu.memory_space<hbm>> -> memref<16384xf32, #tpu.memory_space<hbm>>
    %dma_wait3A_61 = arith.constant 0 : i32
    %dma_wait3A_62 = tpu.memref_slice %arg7[%dma_wait3A_61] : memref<67108864xf32, #tpu.memory_space<hbm>> -> memref<16384xf32, #tpu.memory_space<hbm>>
    tpu.wait_dma2 semaphore(%arg17 : memref<!tpu.dma_semaphore, #tpu.memory_space<semaphore_mem>>) src(%arg14 : memref<16384xf32, #tpu.memory_space<vmem>>) dst(%dma_wait3A_62 : memref<16384xf32, #tpu.memory_space<hbm>>)
    %dma_wait3A_63 = arith.constant 0 : i32
    %dma_wait3A_64 = tpu.memref_slice %arg7[%dma_wait3A_63] : memref<67108864xf32, #tpu.memory_space<hbm>> -> memref<16384xf32, #tpu.memory_space<hbm>>
    %dma_wait3A_65 = arith.constant 0 : i32
    %dma_wait3A_66 = tpu.memref_slice %arg7[%dma_wait3A_65] : memref<67108864xf32, #tpu.memory_space<hbm>> -> memref<16384xf32, #tpu.memory_space<hbm>>
    tpu.wait_dma2 semaphore(%arg17 : memref<!tpu.dma_semaphore, #tpu.memory_space<semaphore_mem>>) src(%arg15 : memref<16384xf32, #tpu.memory_space<vmem>>) dst(%dma_wait3A_66 : memref<16384xf32, #tpu.memory_space<hbm>>)
    %dma_start3A_67 = arith.constant 0 : i32
    %dma_start3A_68 = arith.constant 32 : i32
    %dma_start3A_69 = tpu.memref_slice %arg8[%dma_start3A_67, %dma_start3A_68] : memref<32x128xi32, #tpu.memory_space<vmem>> -> memref<1x32xi32, #tpu.memory_space<vmem>>
    %dma_start3A_70 = tpu.memref_squeeze %dma_start3A_69 : memref<1x32xi32, #tpu.memory_space<vmem>> -> memref<32xi32, #tpu.memory_space<vmem>>
    %dma_start3A_71 = arith.constant 0 : i32
    %dma_start3A_72 = arith.constant 0 : i32
    %dma_start3A_73 = tpu.memref_slice %arg4[%dma_start3A_71, %dma_start3A_72] : memref<1062x256xi32, #tpu.memory_space<hbm>> -> memref<1062x256xi32, #tpu.memory_space<hbm>>
    tpu.enqueue_indirect_dma source(%dma_start3A_73 : memref<1062x256xi32, #tpu.memory_space<hbm>>) target(%arg12 : memref<32x256xi32, #tpu.memory_space<vmem>>) offsets(%dma_start3A_70 : memref<32xi32, #tpu.memory_space<vmem>>) semaphore(%arg16 : memref<!tpu.dma_semaphore, #tpu.memory_space<semaphore_mem>>)
    %add3A_74 = arith.constant 32 : i32
    %add3A_75 = arith.addi %multiple_of3A, %add3A_74 : i32
    "tpu.region"() ({
      %run_scoped3A = tpu.sem_alloc : memref<!tpu.dma_semaphore, #tpu.memory_space<semaphore_mem>>
      %dma_start3A_142 = arith.constant 0 : i32
      %dma_start3A_143 = tpu.memref_slice %arg5[%add3A_75, %dma_start3A_142] : memref<2048x256xf32, #tpu.memory_space<hbm>> -> memref<32x256xf32, #tpu.memory_space<hbm>>
      %dma_start3A_144 = arith.constant 0 : i32
      %dma_start3A_145 = tpu.memref_slice %arg5[%add3A_75, %dma_start3A_144] : memref<2048x256xf32, #tpu.memory_space<hbm>> -> memref<32x256xf32, #tpu.memory_space<hbm>>
      tpu.enqueue_dma source(%dma_start3A_145 : memref<32x256xf32, #tpu.memory_space<hbm>>) target(%arg10 : memref<32x256xf32, #tpu.memory_space<vmem>>) target_semaphore(%run_scoped3A : memref<!tpu.dma_semaphore, #tpu.memory_space<semaphore_mem>>)
      %dma_wait3A_146 = arith.constant 0 : i32
      %dma_wait3A_147 = tpu.memref_slice %arg5[%add3A_75, %dma_wait3A_146] : memref<2048x256xf32, #tpu.memory_space<hbm>> -> memref<32x256xf32, #tpu.memory_space<hbm>>
      %dma_wait3A_148 = arith.constant 0 : i32
      %dma_wait3A_149 = tpu.memref_slice %arg5[%add3A_75, %dma_wait3A_148] : memref<2048x256xf32, #tpu.memory_space<hbm>> -> memref<32x256xf32, #tpu.memory_space<hbm>>
      tpu.wait_dma2 semaphore(%run_scoped3A : memref<!tpu.dma_semaphore, #tpu.memory_space<semaphore_mem>>) src(%dma_wait3A_149 : memref<32x256xf32, #tpu.memory_space<hbm>>) dst(%arg10 : memref<32x256xf32, #tpu.memory_space<vmem>>)
      tpu.yield
    }) : () -> ()
    %add3A_76 = arith.constant 32 : i32
    %add3A_77 = arith.addi %multiple_of3A, %add3A_76 : i32
    "tpu.region"() ({
      %run_scoped3A = tpu.sem_alloc : memref<!tpu.dma_semaphore, #tpu.memory_space<semaphore_mem>>
      %dma_start3A_142 = arith.constant 0 : i32
      %dma_start3A_143 = tpu.memref_slice %arg6[%add3A_77, %dma_start3A_142] : memref<2048x256xf32, #tpu.memory_space<hbm>> -> memref<32x256xf32, #tpu.memory_space<hbm>>
      %dma_start3A_144 = arith.constant 0 : i32
      %dma_start3A_145 = tpu.memref_slice %arg6[%add3A_77, %dma_start3A_144] : memref<2048x256xf32, #tpu.memory_space<hbm>> -> memref<32x256xf32, #tpu.memory_space<hbm>>
      tpu.enqueue_dma source(%dma_start3A_145 : memref<32x256xf32, #tpu.memory_space<hbm>>) target(%arg11 : memref<32x256xf32, #tpu.memory_space<vmem>>) target_semaphore(%run_scoped3A : memref<!tpu.dma_semaphore, #tpu.memory_space<semaphore_mem>>)
      %dma_wait3A_146 = arith.constant 0 : i32
      %dma_wait3A_147 = tpu.memref_slice %arg6[%add3A_77, %dma_wait3A_146] : memref<2048x256xf32, #tpu.memory_space<hbm>> -> memref<32x256xf32, #tpu.memory_space<hbm>>
      %dma_wait3A_148 = arith.constant 0 : i32
      %dma_wait3A_149 = tpu.memref_slice %arg6[%add3A_77, %dma_wait3A_148] : memref<2048x256xf32, #tpu.memory_space<hbm>> -> memref<32x256xf32, #tpu.memory_space<hbm>>
      tpu.wait_dma2 semaphore(%run_scoped3A : memref<!tpu.dma_semaphore, #tpu.memory_space<semaphore_mem>>) src(%dma_wait3A_149 : memref<32x256xf32, #tpu.memory_space<hbm>>) dst(%arg11 : memref<32x256xf32, #tpu.memory_space<vmem>>)
      tpu.yield
    }) : () -> ()
    %scan3A_78 = arith.constant 0 : i32
    %scan3A_79 = arith.constant 0 : i32
    %scan3A_80 = arith.constant 16 : i32
    %scan3A_81 = arith.addi %scan3A_79, %scan3A_80 : i32
    %scan3A_82 = arith.constant 1 : i32
    scf.for %scan3A_142 = %scan3A_79 to %scan3A_81 step %scan3A_82  : i32 {
      %mul3A_143 = arith.constant 2 : i32
      %mul3A_144 = arith.muli %mul3A_143, %scan3A_142 : i32
      %dma_wait3A_145 = arith.constant 0 : i32
      %dma_wait3A_146 = arith.constant 0 : i32
      %dma_wait3A_147 = tpu.memref_slice %arg4[%dma_wait3A_145, %dma_wait3A_146] : memref<1062x256xi32, #tpu.memory_space<hbm>> -> memref<32x256xi32, #tpu.memory_space<hbm>>
      %dma_wait3A_148 = arith.constant 0 : i32
      %dma_wait3A_149 = arith.constant 0 : i32
      %dma_wait3A_150 = tpu.memref_slice %arg4[%dma_wait3A_148, %dma_wait3A_149] : memref<1062x256xi32, #tpu.memory_space<hbm>> -> memref<32x256xi32, #tpu.memory_space<hbm>>
      tpu.wait_dma2 semaphore(%arg16 : memref<!tpu.dma_semaphore, #tpu.memory_space<semaphore_mem>>) src(%dma_wait3A_150 : memref<32x256xi32, #tpu.memory_space<hbm>>) dst(%arg12 : memref<32x256xi32, #tpu.memory_space<vmem>>)
      %add3A_151 = arith.constant 1 : i32
      %add3A_152 = arith.addi %mul3A_144, %add3A_151 : i32
      %dma_start3A_153 = arith.constant 32 : i32
      %dma_start3A_154 = tpu.memref_slice %arg8[%add3A_152, %dma_start3A_153] : memref<32x128xi32, #tpu.memory_space<vmem>> -> memref<1x32xi32, #tpu.memory_space<vmem>>
      %dma_start3A_155 = tpu.memref_squeeze %dma_start3A_154 : memref<1x32xi32, #tpu.memory_space<vmem>> -> memref<32xi32, #tpu.memory_space<vmem>>
      %dma_start3A_156 = arith.constant 0 : i32
      %dma_start3A_157 = arith.constant 0 : i32
      %dma_start3A_158 = tpu.memref_slice %arg4[%dma_start3A_156, %dma_start3A_157] : memref<1062x256xi32, #tpu.memory_space<hbm>> -> memref<1062x256xi32, #tpu.memory_space<hbm>>
      tpu.enqueue_indirect_dma source(%dma_start3A_158 : memref<1062x256xi32, #tpu.memory_space<hbm>>) target(%arg13 : memref<32x256xi32, #tpu.memory_space<vmem>>) offsets(%dma_start3A_155 : memref<32xi32, #tpu.memory_space<vmem>>) semaphore(%arg16 : memref<!tpu.dma_semaphore, #tpu.memory_space<semaphore_mem>>)
      %ge3A = arith.constant 1 : i32
      %ge3A_159 = arith.cmpi sge, %scan3A_142, %ge3A : i32
      %convert_element_type3A = arith.extui %ge3A_159 : i1 to i32
      %cond3A = arith.constant 0 : i32
      %cond3A_160 = arith.cmpi ne, %convert_element_type3A, %cond3A : i32
      scf.if %cond3A_160 {
        %dma_wait3A_199 = arith.constant 0 : i32
        %dma_wait3A_200 = tpu.memref_slice %arg7[%dma_wait3A_199] : memref<67108864xf32, #tpu.memory_space<hbm>> -> memref<16384xf32, #tpu.memory_space<hbm>>
        %dma_wait3A_201 = arith.constant 0 : i32
        %dma_wait3A_202 = tpu.memref_slice %arg7[%dma_wait3A_201] : memref<67108864xf32, #tpu.memory_space<hbm>> -> memref<16384xf32, #tpu.memory_space<hbm>>
        tpu.wait_dma2 semaphore(%arg17 : memref<!tpu.dma_semaphore, #tpu.memory_space<semaphore_mem>>) src(%arg14 : memref<16384xf32, #tpu.memory_space<vmem>>) dst(%dma_wait3A_202 : memref<16384xf32, #tpu.memory_space<hbm>>)
      } else {
      }
      %add3A_161 = arith.addi %multiple_of3A_35, %mul3A_144 : i32
      %mul3A_162 = arith.constant 2048 : i32
      %mul3A_163 = arith.muli %add3A_161, %mul3A_162 : i32
      %add3A_164 = arith.addi %mul3A_163, %multiple_of3A : i32
      %add3A_165 = arith.constant 32 : i32
      %add3A_166 = arith.addi %add3A_164, %add3A_165 : i32
      %mul3A_167 = arith.constant 512 : i32
      %mul3A_168 = arith.muli %add3A_166, %mul3A_167 : i32
      %dma_start3A_169 = tpu.memref_slice %arg7[%mul3A_168] : memref<67108864xf32, #tpu.memory_space<hbm>> -> memref<16384xf32, #tpu.memory_space<hbm>>
      %dma_start3A_170 = tpu.memref_slice %arg7[%mul3A_168] : memref<67108864xf32, #tpu.memory_space<hbm>> -> memref<16384xf32, #tpu.memory_space<hbm>>
      tpu.enqueue_dma source(%arg14 : memref<16384xf32, #tpu.memory_space<vmem>>) target(%dma_start3A_170 : memref<16384xf32, #tpu.memory_space<hbm>>) target_semaphore(%arg17 : memref<!tpu.dma_semaphore, #tpu.memory_space<semaphore_mem>>)
      %dma_wait3A_171 = arith.constant 0 : i32
      %dma_wait3A_172 = arith.constant 0 : i32
      %dma_wait3A_173 = tpu.memref_slice %arg4[%dma_wait3A_171, %dma_wait3A_172] : memref<1062x256xi32, #tpu.memory_space<hbm>> -> memref<32x256xi32, #tpu.memory_space<hbm>>
      %dma_wait3A_174 = arith.constant 0 : i32
      %dma_wait3A_175 = arith.constant 0 : i32
      %dma_wait3A_176 = tpu.memref_slice %arg4[%dma_wait3A_174, %dma_wait3A_175] : memref<1062x256xi32, #tpu.memory_space<hbm>> -> memref<32x256xi32, #tpu.memory_space<hbm>>
      tpu.wait_dma2 semaphore(%arg16 : memref<!tpu.dma_semaphore, #tpu.memory_space<semaphore_mem>>) src(%dma_wait3A_176 : memref<32x256xi32, #tpu.memory_space<hbm>>) dst(%arg13 : memref<32x256xi32, #tpu.memory_space<vmem>>)
      %lt3A_177 = arith.constant 15 : i32
      %lt3A_178 = arith.cmpi slt, %scan3A_142, %lt3A_177 : i32
      %convert_element_type3A_179 = arith.extui %lt3A_178 : i1 to i32
      %cond3A_180 = arith.constant 0 : i32
      %cond3A_181 = arith.cmpi ne, %convert_element_type3A_179, %cond3A_180 : i32
      scf.if %cond3A_181 {
        %add3A_199 = arith.constant 2 : i32
        %add3A_200 = arith.addi %mul3A_144, %add3A_199 : i32
        %dma_start3A_201 = arith.constant 32 : i32
        %dma_start3A_202 = tpu.memref_slice %arg8[%add3A_200, %dma_start3A_201] : memref<32x128xi32, #tpu.memory_space<vmem>> -> memref<1x32xi32, #tpu.memory_space<vmem>>
        %dma_start3A_203 = tpu.memref_squeeze %dma_start3A_202 : memref<1x32xi32, #tpu.memory_space<vmem>> -> memref<32xi32, #tpu.memory_space<vmem>>
        %dma_start3A_204 = arith.constant 0 : i32
        %dma_start3A_205 = arith.constant 0 : i32
        %dma_start3A_206 = tpu.memref_slice %arg4[%dma_start3A_204, %dma_start3A_205] : memref<1062x256xi32, #tpu.memory_space<hbm>> -> memref<1062x256xi32, #tpu.memory_space<hbm>>
        tpu.enqueue_indirect_dma source(%dma_start3A_206 : memref<1062x256xi32, #tpu.memory_space<hbm>>) target(%arg12 : memref<32x256xi32, #tpu.memory_space<vmem>>) offsets(%dma_start3A_203 : memref<32xi32, #tpu.memory_space<vmem>>) semaphore(%arg16 : memref<!tpu.dma_semaphore, #tpu.memory_space<semaphore_mem>>)
      } else {
      }
      %ge3A_182 = arith.constant 1 : i32
      %ge3A_183 = arith.cmpi sge, %scan3A_142, %ge3A_182 : i32
      %convert_element_type3A_184 = arith.extui %ge3A_183 : i1 to i32
      %cond3A_185 = arith.constant 0 : i32
      %cond3A_186 = arith.cmpi ne, %convert_element_type3A_184, %cond3A_185 : i32
      scf.if %cond3A_186 {
        %dma_wait3A_199 = arith.constant 0 : i32
        %dma_wait3A_200 = tpu.memref_slice %arg7[%dma_wait3A_199] : memref<67108864xf32, #tpu.memory_space<hbm>> -> memref<16384xf32, #tpu.memory_space<hbm>>
        %dma_wait3A_201 = arith.constant 0 : i32
        %dma_wait3A_202 = tpu.memref_slice %arg7[%dma_wait3A_201] : memref<67108864xf32, #tpu.memory_space<hbm>> -> memref<16384xf32, #tpu.memory_space<hbm>>
        tpu.wait_dma2 semaphore(%arg17 : memref<!tpu.dma_semaphore, #tpu.memory_space<semaphore_mem>>) src(%arg15 : memref<16384xf32, #tpu.memory_space<vmem>>) dst(%dma_wait3A_202 : memref<16384xf32, #tpu.memory_space<hbm>>)
      } else {
      }
      %add3A_187 = arith.constant 1 : i32
      %add3A_188 = arith.addi %mul3A_144, %add3A_187 : i32
      %add3A_189 = arith.addi %multiple_of3A_35, %add3A_188 : i32
      %mul3A_190 = arith.constant 2048 : i32
      %mul3A_191 = arith.muli %add3A_189, %mul3A_190 : i32
      %add3A_192 = arith.addi %mul3A_191, %multiple_of3A : i32
      %add3A_193 = arith.constant 32 : i32
      %add3A_194 = arith.addi %add3A_192, %add3A_193 : i32
      %mul3A_195 = arith.constant 512 : i32
      %mul3A_196 = arith.muli %add3A_194, %mul3A_195 : i32
      %dma_start3A_197 = tpu.memref_slice %arg7[%mul3A_196] : memref<67108864xf32, #tpu.memory_space<hbm>> -> memref<16384xf32, #tpu.memory_space<hbm>>
      %dma_start3A_198 = tpu.memref_slice %arg7[%mul3A_196] : memref<67108864xf32, #tpu.memory_space<hbm>> -> memref<16384xf32, #tpu.memory_space<hbm>>
      tpu.enqueue_dma source(%arg15 : memref<16384xf32, #tpu.memory_space<vmem>>) target(%dma_start3A_198 : memref<16384xf32, #tpu.memory_space<hbm>>) target_semaphore(%arg17 : memref<!tpu.dma_semaphore, #tpu.memory_space<semaphore_mem>>)
    }
    %scan3A_83 = arith.constant 16 : i32
    %dma_wait3A_84 = arith.constant 0 : i32
    %dma_wait3A_85 = tpu.memref_slice %arg7[%dma_wait3A_84] : memref<67108864xf32, #tpu.memory_space<hbm>> -> memref<16384xf32, #tpu.memory_space<hbm>>
    %dma_wait3A_86 = arith.constant 0 : i32
    %dma_wait3A_87 = tpu.memref_slice %arg7[%dma_wait3A_86] : memref<67108864xf32, #tpu.memory_space<hbm>> -> memref<16384xf32, #tpu.memory_space<hbm>>
    tpu.wait_dma2 semaphore(%arg17 : memref<!tpu.dma_semaphore, #tpu.memory_space<semaphore_mem>>) src(%arg14 : memref<16384xf32, #tpu.memory_space<vmem>>) dst(%dma_wait3A_87 : memref<16384xf32, #tpu.memory_space<hbm>>)
    %dma_wait3A_88 = arith.constant 0 : i32
    %dma_wait3A_89 = tpu.memref_slice %arg7[%dma_wait3A_88] : memref<67108864xf32, #tpu.memory_space<hbm>> -> memref<16384xf32, #tpu.memory_space<hbm>>
    %dma_wait3A_90 = arith.constant 0 : i32
    %dma_wait3A_91 = tpu.memref_slice %arg7[%dma_wait3A_90] : memref<67108864xf32, #tpu.memory_space<hbm>> -> memref<16384xf32, #tpu.memory_space<hbm>>
    tpu.wait_dma2 semaphore(%arg17 : memref<!tpu.dma_semaphore, #tpu.memory_space<semaphore_mem>>) src(%arg15 : memref<16384xf32, #tpu.memory_space<vmem>>) dst(%dma_wait3A_91 : memref<16384xf32, #tpu.memory_space<hbm>>)
    %dma_start3A_92 = arith.constant 0 : i32
    %dma_start3A_93 = arith.constant 64 : i32
    %dma_start3A_94 = tpu.memref_slice %arg8[%dma_start3A_92, %dma_start3A_93] : memref<32x128xi32, #tpu.memory_space<vmem>> -> memref<1x32xi32, #tpu.memory_space<vmem>>
    %dma_start3A_95 = tpu.memref_squeeze %dma_start3A_94 : memref<1x32xi32, #tpu.memory_space<vmem>> -> memref<32xi32, #tpu.memory_space<vmem>>
    %dma_start3A_96 = arith.constant 0 : i32
    %dma_start3A_97 = arith.constant 0 : i32
    %dma_start3A_98 = tpu.memref_slice %arg4[%dma_start3A_96, %dma_start3A_97] : memref<1062x256xi32, #tpu.memory_space<hbm>> -> memref<1062x256xi32, #tpu.memory_space<hbm>>
    tpu.enqueue_indirect_dma source(%dma_start3A_98 : memref<1062x256xi32, #tpu.memory_space<hbm>>) target(%arg12 : memref<32x256xi32, #tpu.memory_space<vmem>>) offsets(%dma_start3A_95 : memref<32xi32, #tpu.memory_space<vmem>>) semaphore(%arg16 : memref<!tpu.dma_semaphore, #tpu.memory_space<semaphore_mem>>)
    %add3A_99 = arith.constant 64 : i32
    %add3A_100 = arith.addi %multiple_of3A, %add3A_99 : i32
    "tpu.region"() ({
      %run_scoped3A = tpu.sem_alloc : memref<!tpu.dma_semaphore, #tpu.memory_space<semaphore_mem>>
      %dma_start3A_142 = arith.constant 0 : i32
      %dma_start3A_143 = tpu.memref_slice %arg5[%add3A_100, %dma_start3A_142] : memref<2048x256xf32, #tpu.memory_space<hbm>> -> memref<32x256xf32, #tpu.memory_space<hbm>>
      %dma_start3A_144 = arith.constant 0 : i32
      %dma_start3A_145 = tpu.memref_slice %arg5[%add3A_100, %dma_start3A_144] : memref<2048x256xf32, #tpu.memory_space<hbm>> -> memref<32x256xf32, #tpu.memory_space<hbm>>
      tpu.enqueue_dma source(%dma_start3A_145 : memref<32x256xf32, #tpu.memory_space<hbm>>) target(%arg10 : memref<32x256xf32, #tpu.memory_space<vmem>>) target_semaphore(%run_scoped3A : memref<!tpu.dma_semaphore, #tpu.memory_space<semaphore_mem>>)
      %dma_wait3A_146 = arith.constant 0 : i32
      %dma_wait3A_147 = tpu.memref_slice %arg5[%add3A_100, %dma_wait3A_146] : memref<2048x256xf32, #tpu.memory_space<hbm>> -> memref<32x256xf32, #tpu.memory_space<hbm>>
      %dma_wait3A_148 = arith.constant 0 : i32
      %dma_wait3A_149 = tpu.memref_slice %arg5[%add3A_100, %dma_wait3A_148] : memref<2048x256xf32, #tpu.memory_space<hbm>> -> memref<32x256xf32, #tpu.memory_space<hbm>>
      tpu.wait_dma2 semaphore(%run_scoped3A : memref<!tpu.dma_semaphore, #tpu.memory_space<semaphore_mem>>) src(%dma_wait3A_149 : memref<32x256xf32, #tpu.memory_space<hbm>>) dst(%arg10 : memref<32x256xf32, #tpu.memory_space<vmem>>)
      tpu.yield
    }) : () -> ()
    %add3A_101 = arith.constant 64 : i32
    %add3A_102 = arith.addi %multiple_of3A, %add3A_101 : i32
    "tpu.region"() ({
      %run_scoped3A = tpu.sem_alloc : memref<!tpu.dma_semaphore, #tpu.memory_space<semaphore_mem>>
      %dma_start3A_142 = arith.constant 0 : i32
      %dma_start3A_143 = tpu.memref_slice %arg6[%add3A_102, %dma_start3A_142] : memref<2048x256xf32, #tpu.memory_space<hbm>> -> memref<32x256xf32, #tpu.memory_space<hbm>>
      %dma_start3A_144 = arith.constant 0 : i32
      %dma_start3A_145 = tpu.memref_slice %arg6[%add3A_102, %dma_start3A_144] : memref<2048x256xf32, #tpu.memory_space<hbm>> -> memref<32x256xf32, #tpu.memory_space<hbm>>
      tpu.enqueue_dma source(%dma_start3A_145 : memref<32x256xf32, #tpu.memory_space<hbm>>) target(%arg11 : memref<32x256xf32, #tpu.memory_space<vmem>>) target_semaphore(%run_scoped3A : memref<!tpu.dma_semaphore, #tpu.memory_space<semaphore_mem>>)
      %dma_wait3A_146 = arith.constant 0 : i32
      %dma_wait3A_147 = tpu.memref_slice %arg6[%add3A_102, %dma_wait3A_146] : memref<2048x256xf32, #tpu.memory_space<hbm>> -> memref<32x256xf32, #tpu.memory_space<hbm>>
      %dma_wait3A_148 = arith.constant 0 : i32
      %dma_wait3A_149 = tpu.memref_slice %arg6[%add3A_102, %dma_wait3A_148] : memref<2048x256xf32, #tpu.memory_space<hbm>> -> memref<32x256xf32, #tpu.memory_space<hbm>>
      tpu.wait_dma2 semaphore(%run_scoped3A : memref<!tpu.dma_semaphore, #tpu.memory_space<semaphore_mem>>) src(%dma_wait3A_149 : memref<32x256xf32, #tpu.memory_space<hbm>>) dst(%arg11 : memref<32x256xf32, #tpu.memory_space<vmem>>)
      tpu.yield
    }) : () -> ()
    %scan3A_103 = arith.constant 0 : i32
    %scan3A_104 = arith.constant 0 : i32
    %scan3A_105 = arith.constant 16 : i32
    %scan3A_106 = arith.addi %scan3A_104, %scan3A_105 : i32
    %scan3A_107 = arith.constant 1 : i32
    scf.for %scan3A_142 = %scan3A_104 to %scan3A_106 step %scan3A_107  : i32 {
      %mul3A_143 = arith.constant 2 : i32
      %mul3A_144 = arith.muli %mul3A_143, %scan3A_142 : i32
      %dma_wait3A_145 = arith.constant 0 : i32
      %dma_wait3A_146 = arith.constant 0 : i32
      %dma_wait3A_147 = tpu.memref_slice %arg4[%dma_wait3A_145, %dma_wait3A_146] : memref<1062x256xi32, #tpu.memory_space<hbm>> -> memref<32x256xi32, #tpu.memory_space<hbm>>
      %dma_wait3A_148 = arith.constant 0 : i32
      %dma_wait3A_149 = arith.constant 0 : i32
      %dma_wait3A_150 = tpu.memref_slice %arg4[%dma_wait3A_148, %dma_wait3A_149] : memref<1062x256xi32, #tpu.memory_space<hbm>> -> memref<32x256xi32, #tpu.memory_space<hbm>>
      tpu.wait_dma2 semaphore(%arg16 : memref<!tpu.dma_semaphore, #tpu.memory_space<semaphore_mem>>) src(%dma_wait3A_150 : memref<32x256xi32, #tpu.memory_space<hbm>>) dst(%arg12 : memref<32x256xi32, #tpu.memory_space<vmem>>)
      %add3A_151 = arith.constant 1 : i32
      %add3A_152 = arith.addi %mul3A_144, %add3A_151 : i32
      %dma_start3A_153 = arith.constant 64 : i32
      %dma_start3A_154 = tpu.memref_slice %arg8[%add3A_152, %dma_start3A_153] : memref<32x128xi32, #tpu.memory_space<vmem>> -> memref<1x32xi32, #tpu.memory_space<vmem>>
      %dma_start3A_155 = tpu.memref_squeeze %dma_start3A_154 : memref<1x32xi32, #tpu.memory_space<vmem>> -> memref<32xi32, #tpu.memory_space<vmem>>
      %dma_start3A_156 = arith.constant 0 : i32
      %dma_start3A_157 = arith.constant 0 : i32
      %dma_start3A_158 = tpu.memref_slice %arg4[%dma_start3A_156, %dma_start3A_157] : memref<1062x256xi32, #tpu.memory_space<hbm>> -> memref<1062x256xi32, #tpu.memory_space<hbm>>
      tpu.enqueue_indirect_dma source(%dma_start3A_158 : memref<1062x256xi32, #tpu.memory_space<hbm>>) target(%arg13 : memref<32x256xi32, #tpu.memory_space<vmem>>) offsets(%dma_start3A_155 : memref<32xi32, #tpu.memory_space<vmem>>) semaphore(%arg16 : memref<!tpu.dma_semaphore, #tpu.memory_space<semaphore_mem>>)
      %ge3A = arith.constant 1 : i32
      %ge3A_159 = arith.cmpi sge, %scan3A_142, %ge3A : i32
      %convert_element_type3A = arith.extui %ge3A_159 : i1 to i32
      %cond3A = arith.constant 0 : i32
      %cond3A_160 = arith.cmpi ne, %convert_element_type3A, %cond3A : i32
      scf.if %cond3A_160 {
        %dma_wait3A_199 = arith.constant 0 : i32
        %dma_wait3A_200 = tpu.memref_slice %arg7[%dma_wait3A_199] : memref<67108864xf32, #tpu.memory_space<hbm>> -> memref<16384xf32, #tpu.memory_space<hbm>>
        %dma_wait3A_201 = arith.constant 0 : i32
        %dma_wait3A_202 = tpu.memref_slice %arg7[%dma_wait3A_201] : memref<67108864xf32, #tpu.memory_space<hbm>> -> memref<16384xf32, #tpu.memory_space<hbm>>
        tpu.wait_dma2 semaphore(%arg17 : memref<!tpu.dma_semaphore, #tpu.memory_space<semaphore_mem>>) src(%arg14 : memref<16384xf32, #tpu.memory_space<vmem>>) dst(%dma_wait3A_202 : memref<16384xf32, #tpu.memory_space<hbm>>)
      } else {
      }
      %add3A_161 = arith.addi %multiple_of3A_35, %mul3A_144 : i32
      %mul3A_162 = arith.constant 2048 : i32
      %mul3A_163 = arith.muli %add3A_161, %mul3A_162 : i32
      %add3A_164 = arith.addi %mul3A_163, %multiple_of3A : i32
      %add3A_165 = arith.constant 64 : i32
      %add3A_166 = arith.addi %add3A_164, %add3A_165 : i32
      %mul3A_167 = arith.constant 512 : i32
      %mul3A_168 = arith.muli %add3A_166, %mul3A_167 : i32
      %dma_start3A_169 = tpu.memref_slice %arg7[%mul3A_168] : memref<67108864xf32, #tpu.memory_space<hbm>> -> memref<16384xf32, #tpu.memory_space<hbm>>
      %dma_start3A_170 = tpu.memref_slice %arg7[%mul3A_168] : memref<67108864xf32, #tpu.memory_space<hbm>> -> memref<16384xf32, #tpu.memory_space<hbm>>
      tpu.enqueue_dma source(%arg14 : memref<16384xf32, #tpu.memory_space<vmem>>) target(%dma_start3A_170 : memref<16384xf32, #tpu.memory_space<hbm>>) target_semaphore(%arg17 : memref<!tpu.dma_semaphore, #tpu.memory_space<semaphore_mem>>)
      %dma_wait3A_171 = arith.constant 0 : i32
      %dma_wait3A_172 = arith.constant 0 : i32
      %dma_wait3A_173 = tpu.memref_slice %arg4[%dma_wait3A_171, %dma_wait3A_172] : memref<1062x256xi32, #tpu.memory_space<hbm>> -> memref<32x256xi32, #tpu.memory_space<hbm>>
      %dma_wait3A_174 = arith.constant 0 : i32
      %dma_wait3A_175 = arith.constant 0 : i32
      %dma_wait3A_176 = tpu.memref_slice %arg4[%dma_wait3A_174, %dma_wait3A_175] : memref<1062x256xi32, #tpu.memory_space<hbm>> -> memref<32x256xi32, #tpu.memory_space<hbm>>
      tpu.wait_dma2 semaphore(%arg16 : memref<!tpu.dma_semaphore, #tpu.memory_space<semaphore_mem>>) src(%dma_wait3A_176 : memref<32x256xi32, #tpu.memory_space<hbm>>) dst(%arg13 : memref<32x256xi32, #tpu.memory_space<vmem>>)
      %lt3A_177 = arith.constant 15 : i32
      %lt3A_178 = arith.cmpi slt, %scan3A_142, %lt3A_177 : i32
      %convert_element_type3A_179 = arith.extui %lt3A_178 : i1 to i32
      %cond3A_180 = arith.constant 0 : i32
      %cond3A_181 = arith.cmpi ne, %convert_element_type3A_179, %cond3A_180 : i32
      scf.if %cond3A_181 {
        %add3A_199 = arith.constant 2 : i32
        %add3A_200 = arith.addi %mul3A_144, %add3A_199 : i32
        %dma_start3A_201 = arith.constant 64 : i32
        %dma_start3A_202 = tpu.memref_slice %arg8[%add3A_200, %dma_start3A_201] : memref<32x128xi32, #tpu.memory_space<vmem>> -> memref<1x32xi32, #tpu.memory_space<vmem>>
        %dma_start3A_203 = tpu.memref_squeeze %dma_start3A_202 : memref<1x32xi32, #tpu.memory_space<vmem>> -> memref<32xi32, #tpu.memory_space<vmem>>
        %dma_start3A_204 = arith.constant 0 : i32
        %dma_start3A_205 = arith.constant 0 : i32
        %dma_start3A_206 = tpu.memref_slice %arg4[%dma_start3A_204, %dma_start3A_205] : memref<1062x256xi32, #tpu.memory_space<hbm>> -> memref<1062x256xi32, #tpu.memory_space<hbm>>
        tpu.enqueue_indirect_dma source(%dma_start3A_206 : memref<1062x256xi32, #tpu.memory_space<hbm>>) target(%arg12 : memref<32x256xi32, #tpu.memory_space<vmem>>) offsets(%dma_start3A_203 : memref<32xi32, #tpu.memory_space<vmem>>) semaphore(%arg16 : memref<!tpu.dma_semaphore, #tpu.memory_space<semaphore_mem>>)
      } else {
      }
      %ge3A_182 = arith.constant 1 : i32
      %ge3A_183 = arith.cmpi sge, %scan3A_142, %ge3A_182 : i32
      %convert_element_type3A_184 = arith.extui %ge3A_183 : i1 to i32
      %cond3A_185 = arith.constant 0 : i32
      %cond3A_186 = arith.cmpi ne, %convert_element_type3A_184, %cond3A_185 : i32
      scf.if %cond3A_186 {
        %dma_wait3A_199 = arith.constant 0 : i32
        %dma_wait3A_200 = tpu.memref_slice %arg7[%dma_wait3A_199] : memref<67108864xf32, #tpu.memory_space<hbm>> -> memref<16384xf32, #tpu.memory_space<hbm>>
        %dma_wait3A_201 = arith.constant 0 : i32
        %dma_wait3A_202 = tpu.memref_slice %arg7[%dma_wait3A_201] : memref<67108864xf32, #tpu.memory_space<hbm>> -> memref<16384xf32, #tpu.memory_space<hbm>>
        tpu.wait_dma2 semaphore(%arg17 : memref<!tpu.dma_semaphore, #tpu.memory_space<semaphore_mem>>) src(%arg15 : memref<16384xf32, #tpu.memory_space<vmem>>) dst(%dma_wait3A_202 : memref<16384xf32, #tpu.memory_space<hbm>>)
      } else {
      }
      %add3A_187 = arith.constant 1 : i32
      %add3A_188 = arith.addi %mul3A_144, %add3A_187 : i32
      %add3A_189 = arith.addi %multiple_of3A_35, %add3A_188 : i32
      %mul3A_190 = arith.constant 2048 : i32
      %mul3A_191 = arith.muli %add3A_189, %mul3A_190 : i32
      %add3A_192 = arith.addi %mul3A_191, %multiple_of3A : i32
      %add3A_193 = arith.constant 64 : i32
      %add3A_194 = arith.addi %add3A_192, %add3A_193 : i32
      %mul3A_195 = arith.constant 512 : i32
      %mul3A_196 = arith.muli %add3A_194, %mul3A_195 : i32
      %dma_start3A_197 = tpu.memref_slice %arg7[%mul3A_196] : memref<67108864xf32, #tpu.memory_space<hbm>> -> memref<16384xf32, #tpu.memory_space<hbm>>
      %dma_start3A_198 = tpu.memref_slice %arg7[%mul3A_196] : memref<67108864xf32, #tpu.memory_space<hbm>> -> memref<16384xf32, #tpu.memory_space<hbm>>
      tpu.enqueue_dma source(%arg15 : memref<16384xf32, #tpu.memory_space<vmem>>) target(%dma_start3A_198 : memref<16384xf32, #tpu.memory_space<hbm>>) target_semaphore(%arg17 : memref<!tpu.dma_semaphore, #tpu.memory_space<semaphore_mem>>)
    }
    %scan3A_108 = arith.constant 16 : i32
    %dma_wait3A_109 = arith.constant 0 : i32
    %dma_wait3A_110 = tpu.memref_slice %arg7[%dma_wait3A_109] : memref<67108864xf32, #tpu.memory_space<hbm>> -> memref<16384xf32, #tpu.memory_space<hbm>>
    %dma_wait3A_111 = arith.constant 0 : i32
    %dma_wait3A_112 = tpu.memref_slice %arg7[%dma_wait3A_111] : memref<67108864xf32, #tpu.memory_space<hbm>> -> memref<16384xf32, #tpu.memory_space<hbm>>
    tpu.wait_dma2 semaphore(%arg17 : memref<!tpu.dma_semaphore, #tpu.memory_space<semaphore_mem>>) src(%arg14 : memref<16384xf32, #tpu.memory_space<vmem>>) dst(%dma_wait3A_112 : memref<16384xf32, #tpu.memory_space<hbm>>)
    %dma_wait3A_113 = arith.constant 0 : i32
    %dma_wait3A_114 = tpu.memref_slice %arg7[%dma_wait3A_113] : memref<67108864xf32, #tpu.memory_space<hbm>> -> memref<16384xf32, #tpu.memory_space<hbm>>
    %dma_wait3A_115 = arith.constant 0 : i32
    %dma_wait3A_116 = tpu.memref_slice %arg7[%dma_wait3A_115] : memref<67108864xf32, #tpu.memory_space<hbm>> -> memref<16384xf32, #tpu.memory_space<hbm>>
    tpu.wait_dma2 semaphore(%arg17 : memref<!tpu.dma_semaphore, #tpu.memory_space<semaphore_mem>>) src(%arg15 : memref<16384xf32, #tpu.memory_space<vmem>>) dst(%dma_wait3A_116 : memref<16384xf32, #tpu.memory_space<hbm>>)
    %dma_start3A_117 = arith.constant 0 : i32
    %dma_start3A_118 = arith.constant 96 : i32
    %dma_start3A_119 = tpu.memref_slice %arg8[%dma_start3A_117, %dma_start3A_118] : memref<32x128xi32, #tpu.memory_space<vmem>> -> memref<1x32xi32, #tpu.memory_space<vmem>>
    %dma_start3A_120 = tpu.memref_squeeze %dma_start3A_119 : memref<1x32xi32, #tpu.memory_space<vmem>> -> memref<32xi32, #tpu.memory_space<vmem>>
    %dma_start3A_121 = arith.constant 0 : i32
    %dma_start3A_122 = arith.constant 0 : i32
    %dma_start3A_123 = tpu.memref_slice %arg4[%dma_start3A_121, %dma_start3A_122] : memref<1062x256xi32, #tpu.memory_space<hbm>> -> memref<1062x256xi32, #tpu.memory_space<hbm>>
    tpu.enqueue_indirect_dma source(%dma_start3A_123 : memref<1062x256xi32, #tpu.memory_space<hbm>>) target(%arg12 : memref<32x256xi32, #tpu.memory_space<vmem>>) offsets(%dma_start3A_120 : memref<32xi32, #tpu.memory_space<vmem>>) semaphore(%arg16 : memref<!tpu.dma_semaphore, #tpu.memory_space<semaphore_mem>>)
    %add3A_124 = arith.constant 96 : i32
    %add3A_125 = arith.addi %multiple_of3A, %add3A_124 : i32
    "tpu.region"() ({
      %run_scoped3A = tpu.sem_alloc : memref<!tpu.dma_semaphore, #tpu.memory_space<semaphore_mem>>
      %dma_start3A_142 = arith.constant 0 : i32
      %dma_start3A_143 = tpu.memref_slice %arg5[%add3A_125, %dma_start3A_142] : memref<2048x256xf32, #tpu.memory_space<hbm>> -> memref<32x256xf32, #tpu.memory_space<hbm>>
      %dma_start3A_144 = arith.constant 0 : i32
      %dma_start3A_145 = tpu.memref_slice %arg5[%add3A_125, %dma_start3A_144] : memref<2048x256xf32, #tpu.memory_space<hbm>> -> memref<32x256xf32, #tpu.memory_space<hbm>>
      tpu.enqueue_dma source(%dma_start3A_145 : memref<32x256xf32, #tpu.memory_space<hbm>>) target(%arg10 : memref<32x256xf32, #tpu.memory_space<vmem>>) target_semaphore(%run_scoped3A : memref<!tpu.dma_semaphore, #tpu.memory_space<semaphore_mem>>)
      %dma_wait3A_146 = arith.constant 0 : i32
      %dma_wait3A_147 = tpu.memref_slice %arg5[%add3A_125, %dma_wait3A_146] : memref<2048x256xf32, #tpu.memory_space<hbm>> -> memref<32x256xf32, #tpu.memory_space<hbm>>
      %dma_wait3A_148 = arith.constant 0 : i32
      %dma_wait3A_149 = tpu.memref_slice %arg5[%add3A_125, %dma_wait3A_148] : memref<2048x256xf32, #tpu.memory_space<hbm>> -> memref<32x256xf32, #tpu.memory_space<hbm>>
      tpu.wait_dma2 semaphore(%run_scoped3A : memref<!tpu.dma_semaphore, #tpu.memory_space<semaphore_mem>>) src(%dma_wait3A_149 : memref<32x256xf32, #tpu.memory_space<hbm>>) dst(%arg10 : memref<32x256xf32, #tpu.memory_space<vmem>>)
      tpu.yield
    }) : () -> ()
    %add3A_126 = arith.constant 96 : i32
    %add3A_127 = arith.addi %multiple_of3A, %add3A_126 : i32
    "tpu.region"() ({
      %run_scoped3A = tpu.sem_alloc : memref<!tpu.dma_semaphore, #tpu.memory_space<semaphore_mem>>
      %dma_start3A_142 = arith.constant 0 : i32
      %dma_start3A_143 = tpu.memref_slice %arg6[%add3A_127, %dma_start3A_142] : memref<2048x256xf32, #tpu.memory_space<hbm>> -> memref<32x256xf32, #tpu.memory_space<hbm>>
      %dma_start3A_144 = arith.constant 0 : i32
      %dma_start3A_145 = tpu.memref_slice %arg6[%add3A_127, %dma_start3A_144] : memref<2048x256xf32, #tpu.memory_space<hbm>> -> memref<32x256xf32, #tpu.memory_space<hbm>>
      tpu.enqueue_dma source(%dma_start3A_145 : memref<32x256xf32, #tpu.memory_space<hbm>>) target(%arg11 : memref<32x256xf32, #tpu.memory_space<vmem>>) target_semaphore(%run_scoped3A : memref<!tpu.dma_semaphore, #tpu.memory_space<semaphore_mem>>)
      %dma_wait3A_146 = arith.constant 0 : i32
      %dma_wait3A_147 = tpu.memref_slice %arg6[%add3A_127, %dma_wait3A_146] : memref<2048x256xf32, #tpu.memory_space<hbm>> -> memref<32x256xf32, #tpu.memory_space<hbm>>
      %dma_wait3A_148 = arith.constant 0 : i32
      %dma_wait3A_149 = tpu.memref_slice %arg6[%add3A_127, %dma_wait3A_148] : memref<2048x256xf32, #tpu.memory_space<hbm>> -> memref<32x256xf32, #tpu.memory_space<hbm>>
      tpu.wait_dma2 semaphore(%run_scoped3A : memref<!tpu.dma_semaphore, #tpu.memory_space<semaphore_mem>>) src(%dma_wait3A_149 : memref<32x256xf32, #tpu.memory_space<hbm>>) dst(%arg11 : memref<32x256xf32, #tpu.memory_space<vmem>>)
      tpu.yield
    }) : () -> ()
    %scan3A_128 = arith.constant 0 : i32
    %scan3A_129 = arith.constant 0 : i32
    %scan3A_130 = arith.constant 16 : i32
    %scan3A_131 = arith.addi %scan3A_129, %scan3A_130 : i32
    %scan3A_132 = arith.constant 1 : i32
    scf.for %scan3A_142 = %scan3A_129 to %scan3A_131 step %scan3A_132  : i32 {
      %mul3A_143 = arith.constant 2 : i32
      %mul3A_144 = arith.muli %mul3A_143, %scan3A_142 : i32
      %dma_wait3A_145 = arith.constant 0 : i32
      %dma_wait3A_146 = arith.constant 0 : i32
      %dma_wait3A_147 = tpu.memref_slice %arg4[%dma_wait3A_145, %dma_wait3A_146] : memref<1062x256xi32, #tpu.memory_space<hbm>> -> memref<32x256xi32, #tpu.memory_space<hbm>>
      %dma_wait3A_148 = arith.constant 0 : i32
      %dma_wait3A_149 = arith.constant 0 : i32
      %dma_wait3A_150 = tpu.memref_slice %arg4[%dma_wait3A_148, %dma_wait3A_149] : memref<1062x256xi32, #tpu.memory_space<hbm>> -> memref<32x256xi32, #tpu.memory_space<hbm>>
      tpu.wait_dma2 semaphore(%arg16 : memref<!tpu.dma_semaphore, #tpu.memory_space<semaphore_mem>>) src(%dma_wait3A_150 : memref<32x256xi32, #tpu.memory_space<hbm>>) dst(%arg12 : memref<32x256xi32, #tpu.memory_space<vmem>>)
      %add3A_151 = arith.constant 1 : i32
      %add3A_152 = arith.addi %mul3A_144, %add3A_151 : i32
      %dma_start3A_153 = arith.constant 96 : i32
      %dma_start3A_154 = tpu.memref_slice %arg8[%add3A_152, %dma_start3A_153] : memref<32x128xi32, #tpu.memory_space<vmem>> -> memref<1x32xi32, #tpu.memory_space<vmem>>
      %dma_start3A_155 = tpu.memref_squeeze %dma_start3A_154 : memref<1x32xi32, #tpu.memory_space<vmem>> -> memref<32xi32, #tpu.memory_space<vmem>>
      %dma_start3A_156 = arith.constant 0 : i32
      %dma_start3A_157 = arith.constant 0 : i32
      %dma_start3A_158 = tpu.memref_slice %arg4[%dma_start3A_156, %dma_start3A_157] : memref<1062x256xi32, #tpu.memory_space<hbm>> -> memref<1062x256xi32, #tpu.memory_space<hbm>>
      tpu.enqueue_indirect_dma source(%dma_start3A_158 : memref<1062x256xi32, #tpu.memory_space<hbm>>) target(%arg13 : memref<32x256xi32, #tpu.memory_space<vmem>>) offsets(%dma_start3A_155 : memref<32xi32, #tpu.memory_space<vmem>>) semaphore(%arg16 : memref<!tpu.dma_semaphore, #tpu.memory_space<semaphore_mem>>)
      %ge3A = arith.constant 1 : i32
      %ge3A_159 = arith.cmpi sge, %scan3A_142, %ge3A : i32
      %convert_element_type3A = arith.extui %ge3A_159 : i1 to i32
      %cond3A = arith.constant 0 : i32
      %cond3A_160 = arith.cmpi ne, %convert_element_type3A, %cond3A : i32
      scf.if %cond3A_160 {
        %dma_wait3A_199 = arith.constant 0 : i32
        %dma_wait3A_200 = tpu.memref_slice %arg7[%dma_wait3A_199] : memref<67108864xf32, #tpu.memory_space<hbm>> -> memref<16384xf32, #tpu.memory_space<hbm>>
        %dma_wait3A_201 = arith.constant 0 : i32
        %dma_wait3A_202 = tpu.memref_slice %arg7[%dma_wait3A_201] : memref<67108864xf32, #tpu.memory_space<hbm>> -> memref<16384xf32, #tpu.memory_space<hbm>>
        tpu.wait_dma2 semaphore(%arg17 : memref<!tpu.dma_semaphore, #tpu.memory_space<semaphore_mem>>) src(%arg14 : memref<16384xf32, #tpu.memory_space<vmem>>) dst(%dma_wait3A_202 : memref<16384xf32, #tpu.memory_space<hbm>>)
      } else {
      }
      %add3A_161 = arith.addi %multiple_of3A_35, %mul3A_144 : i32
      %mul3A_162 = arith.constant 2048 : i32
      %mul3A_163 = arith.muli %add3A_161, %mul3A_162 : i32
      %add3A_164 = arith.addi %mul3A_163, %multiple_of3A : i32
      %add3A_165 = arith.constant 96 : i32
      %add3A_166 = arith.addi %add3A_164, %add3A_165 : i32
      %mul3A_167 = arith.constant 512 : i32
      %mul3A_168 = arith.muli %add3A_166, %mul3A_167 : i32
      %dma_start3A_169 = tpu.memref_slice %arg7[%mul3A_168] : memref<67108864xf32, #tpu.memory_space<hbm>> -> memref<16384xf32, #tpu.memory_space<hbm>>
      %dma_start3A_170 = tpu.memref_slice %arg7[%mul3A_168] : memref<67108864xf32, #tpu.memory_space<hbm>> -> memref<16384xf32, #tpu.memory_space<hbm>>
      tpu.enqueue_dma source(%arg14 : memref<16384xf32, #tpu.memory_space<vmem>>) target(%dma_start3A_170 : memref<16384xf32, #tpu.memory_space<hbm>>) target_semaphore(%arg17 : memref<!tpu.dma_semaphore, #tpu.memory_space<semaphore_mem>>)
      %dma_wait3A_171 = arith.constant 0 : i32
      %dma_wait3A_172 = arith.constant 0 : i32
      %dma_wait3A_173 = tpu.memref_slice %arg4[%dma_wait3A_171, %dma_wait3A_172] : memref<1062x256xi32, #tpu.memory_space<hbm>> -> memref<32x256xi32, #tpu.memory_space<hbm>>
      %dma_wait3A_174 = arith.constant 0 : i32
      %dma_wait3A_175 = arith.constant 0 : i32
      %dma_wait3A_176 = tpu.memref_slice %arg4[%dma_wait3A_174, %dma_wait3A_175] : memref<1062x256xi32, #tpu.memory_space<hbm>> -> memref<32x256xi32, #tpu.memory_space<hbm>>
      tpu.wait_dma2 semaphore(%arg16 : memref<!tpu.dma_semaphore, #tpu.memory_space<semaphore_mem>>) src(%dma_wait3A_176 : memref<32x256xi32, #tpu.memory_space<hbm>>) dst(%arg13 : memref<32x256xi32, #tpu.memory_space<vmem>>)
      %lt3A_177 = arith.constant 15 : i32
      %lt3A_178 = arith.cmpi slt, %scan3A_142, %lt3A_177 : i32
      %convert_element_type3A_179 = arith.extui %lt3A_178 : i1 to i32
      %cond3A_180 = arith.constant 0 : i32
      %cond3A_181 = arith.cmpi ne, %convert_element_type3A_179, %cond3A_180 : i32
      scf.if %cond3A_181 {
        %add3A_199 = arith.constant 2 : i32
        %add3A_200 = arith.addi %mul3A_144, %add3A_199 : i32
        %dma_start3A_201 = arith.constant 96 : i32
        %dma_start3A_202 = tpu.memref_slice %arg8[%add3A_200, %dma_start3A_201] : memref<32x128xi32, #tpu.memory_space<vmem>> -> memref<1x32xi32, #tpu.memory_space<vmem>>
        %dma_start3A_203 = tpu.memref_squeeze %dma_start3A_202 : memref<1x32xi32, #tpu.memory_space<vmem>> -> memref<32xi32, #tpu.memory_space<vmem>>
        %dma_start3A_204 = arith.constant 0 : i32
        %dma_start3A_205 = arith.constant 0 : i32
        %dma_start3A_206 = tpu.memref_slice %arg4[%dma_start3A_204, %dma_start3A_205] : memref<1062x256xi32, #tpu.memory_space<hbm>> -> memref<1062x256xi32, #tpu.memory_space<hbm>>
        tpu.enqueue_indirect_dma source(%dma_start3A_206 : memref<1062x256xi32, #tpu.memory_space<hbm>>) target(%arg12 : memref<32x256xi32, #tpu.memory_space<vmem>>) offsets(%dma_start3A_203 : memref<32xi32, #tpu.memory_space<vmem>>) semaphore(%arg16 : memref<!tpu.dma_semaphore, #tpu.memory_space<semaphore_mem>>)
      } else {
      }
      %ge3A_182 = arith.constant 1 : i32
      %ge3A_183 = arith.cmpi sge, %scan3A_142, %ge3A_182 : i32
      %convert_element_type3A_184 = arith.extui %ge3A_183 : i1 to i32
      %cond3A_185 = arith.constant 0 : i32
      %cond3A_186 = arith.cmpi ne, %convert_element_type3A_184, %cond3A_185 : i32
      scf.if %cond3A_186 {
        %dma_wait3A_199 = arith.constant 0 : i32
        %dma_wait3A_200 = tpu.memref_slice %arg7[%dma_wait3A_199] : memref<67108864xf32, #tpu.memory_space<hbm>> -> memref<16384xf32, #tpu.memory_space<hbm>>
        %dma_wait3A_201 = arith.constant 0 : i32
        %dma_wait3A_202 = tpu.memref_slice %arg7[%dma_wait3A_201] : memref<67108864xf32, #tpu.memory_space<hbm>> -> memref<16384xf32, #tpu.memory_space<hbm>>
        tpu.wait_dma2 semaphore(%arg17 : memref<!tpu.dma_semaphore, #tpu.memory_space<semaphore_mem>>) src(%arg15 : memref<16384xf32, #tpu.memory_space<vmem>>) dst(%dma_wait3A_202 : memref<16384xf32, #tpu.memory_space<hbm>>)
      } else {
      }
      %add3A_187 = arith.constant 1 : i32
      %add3A_188 = arith.addi %mul3A_144, %add3A_187 : i32
      %add3A_189 = arith.addi %multiple_of3A_35, %add3A_188 : i32
      %mul3A_190 = arith.constant 2048 : i32
      %mul3A_191 = arith.muli %add3A_189, %mul3A_190 : i32
      %add3A_192 = arith.addi %mul3A_191, %multiple_of3A : i32
      %add3A_193 = arith.constant 96 : i32
      %add3A_194 = arith.addi %add3A_192, %add3A_193 : i32
      %mul3A_195 = arith.constant 512 : i32
      %mul3A_196 = arith.muli %add3A_194, %mul3A_195 : i32
      %dma_start3A_197 = tpu.memref_slice %arg7[%mul3A_196] : memref<67108864xf32, #tpu.memory_space<hbm>> -> memref<16384xf32, #tpu.memory_space<hbm>>
      %dma_start3A_198 = tpu.memref_slice %arg7[%mul3A_196] : memref<67108864xf32, #tpu.memory_space<hbm>> -> memref<16384xf32, #tpu.memory_space<hbm>>
      tpu.enqueue_dma source(%arg15 : memref<16384xf32, #tpu.memory_space<vmem>>) target(%dma_start3A_198 : memref<16384xf32, #tpu.memory_space<hbm>>) target_semaphore(%arg17 : memref<!tpu.dma_semaphore, #tpu.memory_space<semaphore_mem>>)
    }
    %scan3A_133 = arith.constant 16 : i32
    %dma_wait3A_134 = arith.constant 0 : i32
    %dma_wait3A_135 = tpu.memref_slice %arg7[%dma_wait3A_134] : memref<67108864xf32, #tpu.memory_space<hbm>> -> memref<16384xf32, #tpu.memory_space<hbm>>
    %dma_wait3A_136 = arith.constant 0 : i32
    %dma_wait3A_137 = tpu.memref_slice %arg7[%dma_wait3A_136] : memref<67108864xf32, #tpu.memory_space<hbm>> -> memref<16384xf32, #tpu.memory_space<hbm>>
    tpu.wait_dma2 semaphore(%arg17 : memref<!tpu.dma_semaphore, #tpu.memory_space<semaphore_mem>>) src(%arg14 : memref<16384xf32, #tpu.memory_space<vmem>>) dst(%dma_wait3A_137 : memref<16384xf32, #tpu.memory_space<hbm>>)
    %dma_wait3A_138 = arith.constant 0 : i32
    %dma_wait3A_139 = tpu.memref_slice %arg7[%dma_wait3A_138] : memref<67108864xf32, #tpu.memory_space<hbm>> -> memref<16384xf32, #tpu.memory_space<hbm>>
    %dma_wait3A_140 = arith.constant 0 : i32
    %dma_wait3A_141 = tpu.memref_slice %arg7[%dma_wait3A_140] : memref<67108864xf32, #tpu.memory_space<hbm>> -> memref<16384xf32, #tpu.memory_space<hbm>>
    tpu.wait_dma2 semaphore(%arg17 : memref<!tpu.dma_semaphore, #tpu.memory_space<semaphore_mem>>) src(%arg15 : memref<16384xf32, #tpu.memory_space<vmem>>) dst(%dma_wait3A_141 : memref<16384xf32, #tpu.memory_space<hbm>>)
    return
  }
}

module attributes {stable_mosaic.version = 14 : i64} {
  func.func @_combine_body(%arg0: memref<531x512xf32, #tpu.memory_space<vmem>>, %arg1: memref<2x512xf32, #tpu.memory_space<vmem>>, %arg2: memref<2x531x512xbf16, #tpu.memory_space<vmem>>) attributes {dimension_semantics = [], scalar_prefetch = 0 : i64, scratch_operands = 0 : i64, tpu.core_type = #tpu.core_type<tc>} {
    %get3A = arith.constant 0 : index
    %get3A_0 = arith.constant 0 : index
    %get3A_1 = vector.load %arg0[%get3A, %get3A_0] : memref<531x512xf32, #tpu.memory_space<vmem>>, vector<531x512xf32>
    %get3A_2 = arith.constant 0 : index
    %get3A_3 = arith.constant 0 : index
    %get3A_4 = vector.load %arg1[%get3A_2, %get3A_3] : memref<2x512xf32, #tpu.memory_space<vmem>>, vector<1x512xf32>
    %add3A = vector.broadcast %get3A_4 : vector<1x512xf32> to vector<531x512xf32>
    %add3A_5 = arith.addf %get3A_1, %add3A : vector<531x512xf32>
    %convert_element_type3A = arith.truncf %add3A_5 : vector<531x512xf32> to vector<531x512xbf16>
    %swap3A = arith.constant 0 : index
    %swap3A_6 = arith.constant 0 : index
    %swap3A_7 = arith.constant 0 : index
    %swap3A_8 = vector.load %arg2[%swap3A, %swap3A_6, %swap3A_7] : memref<2x531x512xbf16, #tpu.memory_space<vmem>>, vector<1x531x512xbf16>
    %swap3A_9 = vector.shape_cast %swap3A_8 : vector<1x531x512xbf16> to vector<531x512xbf16>
    %swap3A_10 = vector.shape_cast %convert_element_type3A : vector<531x512xbf16> to vector<1x531x512xbf16>
    tpu.vector_store %arg2[%swap3A, %swap3A_6, %swap3A_7], %swap3A_10 {strides = array<i32>} : memref<2x531x512xbf16, #tpu.memory_space<vmem>>, vector<1x531x512xbf16>,
    %get3A_11 = arith.constant 1 : index
    %get3A_12 = arith.constant 0 : index
    %get3A_13 = vector.load %arg1[%get3A_11, %get3A_12] : memref<2x512xf32, #tpu.memory_space<vmem>>, vector<1x512xf32>
    %add3A_14 = vector.broadcast %get3A_13 : vector<1x512xf32> to vector<531x512xf32>
    %add3A_15 = arith.addf %get3A_1, %add3A_14 : vector<531x512xf32>
    %convert_element_type3A_16 = arith.truncf %add3A_15 : vector<531x512xf32> to vector<531x512xbf16>
    %swap3A_17 = arith.constant 1 : index
    %swap3A_18 = arith.constant 0 : index
    %swap3A_19 = arith.constant 0 : index
    %swap3A_20 = vector.load %arg2[%swap3A_17, %swap3A_18, %swap3A_19] : memref<2x531x512xbf16, #tpu.memory_space<vmem>>, vector<1x531x512xbf16>
    %swap3A_21 = vector.shape_cast %swap3A_20 : vector<1x531x512xbf16> to vector<531x512xbf16>
    %swap3A_22 = vector.shape_cast %convert_element_type3A_16 : vector<531x512xbf16> to vector<1x531x512xbf16>
    tpu.vector_store %arg2[%swap3A_17, %swap3A_18, %swap3A_19], %swap3A_22 {strides = array<i32>} : memref<2x531x512xbf16, #tpu.memory_space<vmem>>, vector<1x531x512xbf16>,
    return
  }
}

</mosaic_0001>

<sc_bundles>
// kernel: kernel.4.cloned.1.call-start
scs
__scs_entry_jumppad:
0x0: {  	(pc) =	sbr.rel $0x88, $3  }
0x1: {  	(tag) =	ssettag $0x0;
	lr =	simm.s32 $0x1  }
0x2: {  	[smem:$0x3F9C] =	sst lr;
	_ =	strace $0xD0000000  }
0x3: {  	_ = 	snop  }
0x4: {  	_ = 	snop  }
0x5: {  	_ = 	snop  }
0x6: {  	_ = 	snop  }
0x7: {  	_ = 	snop  }
__scs_overlays_trampoline_lowered:
0x8: {  	[smem:$0x3FAB] =	sst s0  }
0x9: {  	[smem:$0x3FAC] =	sst s1  }
0xa: {  	[smem:$0x3FAD] =	sst s2  }
0xb: {  	[smem:$0x3FAE] =	sst s3  }
0xc: {  	[smem:$0x3FAF] =	sst s4  }
0xd: {  	[smem:$0x3FB0] =	sst s5  }
0xe: {  	[smem:$0x3FB1] =	sst s6  }
0xf: {  	[smem:$0x3FB2] =	sst s7  }
0x10: {  	[smem:$0x3FB3] =	sst s8  }
0x11: {  	[smem:$0x3FB4] =	sst s9;
	s0 =	simm.s32 @!p0 $0x0  }
0x12: {  	s1 =	sld [smem:$0x3F9A];
	s0 =	simm.s32 @p0 $0x1  }
0x13: {  	[smem:$0x3FB5] =	sst s0;
	s0 =	simm.s32 @!p1 $0x0  }
0x14: {  	s2 =	sld [smem:$0x3F99];
	s0 =	simm.s32 @p1 $0x1  }
0x15: {  	[smem:$0x3FB6] =	sst s0;
	s0 =	simm.s32 @!p2 $0x0  }
0x16: {  	s3 =	sld [smem:$0x3FDB];
	s0 =	simm.s32 @p2 $0x1  }
0x17: {  	s4 =	simm.s32 $0x1BF5;
	[smem:$0x3FB8] =	sst s0  }
0x18: {  	s0 =	sld [smem:$0x3F9B];
	_ =	swait.ge [sflag:s4], $0x0  }
0x19: {  	s7 =	sld [smem:$0x3F9C]  }
0x1a: {  	s8 =	sadd.s32 $0xFFFFE003, lr  }
0x1b: {  	s9 =	sadd.s32 $0xFFFFFEF7, lr;
	s5 =	simm.s32 $0xFFFFFFFF;
	p2 =	slt.u32 s8, $0xFFFFF086  }
0x1c: {  	p1 =	slt.u32 s9, $0xF7A;
	s5 =	simm.s32 @!p2 $0x0  }
0x1d: {  	s5 =	simm.s32 @p1 $0x1;
	p0 =	seq.s32 s7, s2  }
0x1e: {  	s7 =	smul.u32 @!p0 $0xF7A, s2;
	p2 =	seq.s32 @!p0 s5, $0x0  }
0x1f: {  	s9 =	smul.u32 $0xF7A, s1;
	s8 =	simm.s32 @!p0 $0x1BF5;
	p2 =	por !p2, p0  }
0x20: {  	[sflag:s8] =	ssyncset.s32 @!p0 $0xFFFFF086;
	s6 =	sadd.s32 @!p0 s3, s7;
	s7 =	simm.s32 @!p0 $0x108  }
0x21: {  	s3 =	sadd.s32 s3, s9;
	s6 =	sadd.s32 @!p0 $0x88, s6;
	s7 =	simm.s32 @p2 $0x1082  }
0x22: {  	[simem:s7], [sflag:s8] =	dma.local @!p0 [hbm:s6], $0xF7A  }
0x23: {  	s9 =	sor.u32 $0xD0000000, s2;
	s6 =	simm.s32 $0x108;
	_ =	swait.ge @!p0 [sflag:s8], $0x0  }
0x24: {  	s3 =	sadd.s32 $0x88, s3;
	s6 =	simm.s32 @!p1 $0x1082;
	[sflag:s4] =	ssyncset.s32 $0xFFFFF086  }
0x25: {  	[simem:s6], [sflag:s4] =	dma.local [hbm:s3], $0xF7A  }
0x26: {  	[smem:$0x3F9C] =	sst s1;
	(tag) =	ssettag s2;
	_ =	strace s9  }
0x27: {  	s1 =	sld [smem:$0x3FAC]  }
0x28: {  	s2 =	sld [smem:$0x3FAD]  }
0x29: {  	s4 =	sld [smem:$0x3FAF]  }
0x2a: {  	p0 =	seq.s32 s5, $0x0;
	s5 =	sld [smem:$0x3FB0]  }
0x2b: {  	s6 =	sld [smem:$0x3FB1]  }
0x2c: {  	s7 =	sld [smem:$0x3FB2]  }
0x2d: {  	s3 =	simm.s32 $0x108;
	s8 =	sld [smem:$0x3FB3]  }
0x2e: {  	s3 =	simm.s32 @!p0 $0x1082;
	s9 =	sld [smem:$0x3FB4]  }
0x2f: {  	lr =	sadd.s32 s0, s3;
	s0 =	sld [smem:$0x3FAB]  }
0x30: {  	s3 =	sld [smem:$0x3FAE]  }
0x31: {  	[smem:$0x3FB7] =	sst s10  }
0x32: {  	s10 =	sld [smem:$0x3FB5];
	_ =	sdelay $0x3  }
0x33: {  	p0 =	seq.s32 s10, $0x1;
	s10 =	sld [smem:$0x3FB7];
	_ =	sdelay $0x3  }
0x34: {  	[smem:$0x3FB7] =	sst s10  }
0x35: {  	s10 =	sld [smem:$0x3FB6];
	_ =	sdelay $0x3  }
0x36: {  	p1 =	seq.s32 s10, $0x1;
	s10 =	sld [smem:$0x3FB7];
	_ =	sdelay $0x3  }
0x37: {  	[smem:$0x3FB7] =	sst s10  }
0x38: {  	s10 =	sld [smem:$0x3FB8]  }
0x39: {  	_ = 	snop;
	(pc) =	sbr.ind lr, $3  }
0x3a: {  	_ = 	snop  }
0x3b: {  	_ = 	snop  }
0x3c: {  	p2 =	seq.s32 s10, $0x1;
	s10 =	sld [smem:$0x3FB7]  }
0x3d: {  	_ =	shalt  }
0x3e: {  	_ =	shalt  }
0x3f: {  	_ =	shalt  }
0x40: {  	_ =	shalt  }
0x41: {  	_ =	shalt  }
0x42: {  	_ =	shalt  }
0x43: {  	_ =	shalt  }
0x44: {  	_ =	shalt  }
0x45: {  	_ =	shalt  }
0x46: {  	_ =	shalt  }
0x47: {  	_ =	shalt  }
0x48: {  	_ =	shalt  }
0x49: {  	_ =	shalt  }
0x4a: {  	_ =	shalt  }
0x4b: {  	_ =	shalt  }
0x4c: {  	_ =	shalt  }
0x4d: {  	_ =	shalt  }
0x4e: {  	_ =	shalt  }
0x4f: {  	_ =	shalt  }
0x50: {  	_ =	shalt  }
0x51: {  	_ =	shalt  }
0x52: {  	_ =	shalt  }
0x53: {  	_ =	shalt  }
0x54: {  	_ =	shalt  }
0x55: {  	_ =	shalt  }
0x56: {  	_ =	shalt  }
0x57: {  	_ =	shalt  }
0x58: {  	_ =	shalt  }
0x59: {  	_ =	shalt  }
0x5a: {  	_ =	shalt  }
0x5b: {  	_ =	shalt  }
0x5c: {  	_ =	shalt  }
0x5d: {  	_ =	shalt  }
0x5e: {  	_ =	shalt  }
0x5f: {  	_ =	shalt  }
0x60: {  	_ =	shalt  }
0x61: {  	_ =	shalt  }
0x62: {  	_ =	shalt  }
0x63: {  	_ =	shalt  }
0x64: {  	_ =	shalt  }
0x65: {  	_ =	shalt  }
0x66: {  	_ =	shalt  }
0x67: {  	_ =	shalt  }
0x68: {  	_ =	shalt  }
0x69: {  	_ =	shalt  }
0x6a: {  	_ =	shalt  }
0x6b: {  	_ =	shalt  }
0x6c: {  	_ =	shalt  }
0x6d: {  	_ =	shalt  }
0x6e: {  	_ =	shalt  }
0x6f: {  	_ =	shalt  }
0x70: {  	_ =	shalt  }
0x71: {  	_ =	shalt  }
0x72: {  	_ =	shalt  }
0x73: {  	_ =	shalt  }
0x74: {  	_ =	shalt  }
0x75: {  	_ =	shalt  }
0x76: {  	_ =	shalt  }
0x77: {  	_ =	shalt  }
0x78: {  	_ =	shalt  }
0x79: {  	_ =	shalt  }
0x7a: {  	_ =	shalt  }
0x7b: {  	_ =	shalt  }
0x7c: {  	_ =	shalt  }
0x7d: {  	_ =	shalt  }
0x7e: {  	_ =	shalt  }
0x7f: {  	_ =	shalt  }
0x80: {  	_ =	shalt  }
0x81: {  	_ =	shalt  }
0x82: {  	_ =	shalt  }
0x83: {  	_ =	shalt  }
0x84: {  	_ =	shalt  }
0x85: {  	_ =	shalt  }
0x86: {  	_ =	shalt  }
0x87: {  	_ =	shalt  }
.Lfunc_end0:
.L_simem_size_0:
called_computation_lowered:
.L_overlay_start_0:
0x88: {  	s2 =	sld [smem:$0x3FD9]  }
0x89: {  	s3 =	sld [smem:$0x3FFE];
	_ =	sdelay $0x1  }
0x8a: {  	s1 =	srdreg.scid  }
0x8b: {  	s0 =	sand.u32 $0x1, s1  }
0x8c: {  	s17 =	sshll.u32 s0, $0xA;
	s2 =	sadd.s32 s3, s2  }
0x8d: {  	s2 =	sadd.s32 s2, s17  }
0x8e: {  	[smem:$0x3FC3] =	sst s2  }
0x8f: {  	_ = 	snop  }
0x90: {  	s2 =	sld [smem:$0x3FC9]  }
0x91: {  	s18 =	sld [smem:$0x3FC8]  }
0x92: {  	s4 =	sld [smem:$0x3FD0];
	(tm) =	ssettm $0x1  }
0x93: {  	s5 =	sld [smem:$0x3FFB];
	_ =	sdelay $0x3  }
0x94: {  	_ =	strace s5  }
0x95: {  	s5 =	sld [smem:$0x3FFC];
	_ =	sdelay $0x3  }
0x96: {  	_ =	strace s5  }
0x97: {  	s5 =	sld [smem:$0x3FFD];
	_ =	sdelay $0x3  }
0x98: {  	_ =	strace s5  }
0x99: {  	_ =	strace $0x8FFFFFFF  }
0x9a: {  	s19 =	sld [smem:$0x3FDB];
	_ =	sdelay $0x1  }
0x9b: {  	s6 =	simm.s32 $_scs_section_size  }
0x9c: {  	s7 =	simm.s32 $_size__tile_overlayer_lowered;
	s8 =	simm.s32 $_tile_overlayer_lowered  }
0x9d: {  	s22 =	simm.s32 $0x1BFF;
	s21 =	sshll.u32 s8, $0x1;
	s5 =	sadd.s32 s6, s19  }
0x9e: {  	s9 =	simm.s32 $0x0;
	s20 =	sshll.u32 s7, $0x1;
	s7 =	sadd.s32 s21, s5  }
0x9f: {  	[timem:s9], [sflag:s22] =	dma.local [hbm:s7], s20  }
0xa0: {  	_ =	swait.ge [sflag:s22], s20  }
0xa1: {  	s6 =	ssub.s32 $0x0, s20;
	[sflag:s22] =	ssyncset.done $0x0  }
0xa2: {  	[sflag:s22] =	ssyncadd.s32 s6;
	_ =	sdelay $0x1  }
0xa3: {  	s23 =	simm.s32 $0x1B8B  }
0xa4: {  	_ =	swait.ge [sflag:s23], $0x1  }
0xa5: {  	[sflag:s23] =	ssyncset.done $0x0  }
0xa6: {  	s25 =	simm.s32 $0x1B8E;
	s24 =	sld [smem:$0x3FFE];
	[sflag:s23] =	ssyncadd.s32 $0xFFFFFFFF  }
0xa7: {  	s26 =	simm.s32 $execute0_lowered;
	[smem:$0x3FD2] =	sst s25  }
0xa8: {  	s7 =	sshll.u32 s26, $0x1;
	_ =	strace $0x80000046;
	[dreg:$0x1] =	wrdreg $0xFFFFFFFF  }
0xa9: {  	s28 =	simm.s32 $_size_execute0_lowered;
	s5 =	sadd.s32 s5, s7;
	[dreg:$0x0] =	wrdreg $0x0  }
0xaa: {  	s7 =	sshll.u32 s28, $0x1;
	[dreg:$0x2] =	wrdreg s5  }
0xab: {  	[dreg:$0x3] =	wrdreg s7  }
0xac: {  	[dreg:$0x4] =	wrdreg $0xC0  }
0xad: {  	_ =	task [dreg:s9], $0x5FFFF  }
0xae: {  	[dreg:$0x1] =	wrdreg $0xFFFFFFFF  }
0xaf: {  	[dreg:$0x0] =	wrdreg $0x60  }
0xb0: {  	[dreg:$0x2] =	wrdreg s2  }
0xb1: {  	[dreg:$0x3] =	wrdreg s18  }
0xb2: {  	[dreg:$0x4] =	wrdreg s24  }
0xb3: {  	[dreg:$0x5] =	wrdreg s4  }
0xb4: {  	[dreg:$0x6] =	wrdreg $0x9  }
0xb5: {  	_ =	task.clear_ibuf [dreg:s9], $0x7FFFF;
	_ =	strace $0x90000046  }
0xb6: {  	s29 =	simm.s32 $0x9;
	_ =	strace $0x80000048  }
0xb7: {  	_ =	swait.ge [sflag:s29], $0x1  }
0xb8: {  	[sflag:s29] =	ssyncadd.s32 $0xFFFFFFFF  }
0xb9: {  	_ =	strace $0x90000048  }
0xba: {  	_ =	sfence  }
0xbb: {  	s30 =	sld [smem:$0x0];
	_ =	sdelay $0x2  }
0xbc: {  	s31 =	sshll.u32 s1, $0xD;
	s1 =	sshrl.u32 s1, $0x2  }
0xbd: {  	s3 =	sand.u32 $0x4000, s31;
	s1 =	sadd.s32 s1, s30  }
0xbe: {  	s0 =	sor.u32 s3, s0;
	s1 =	sshll.u32 s1, $0x11  }
0xbf: {  	s0 =	sor.u32 s1, s0  }
0xc0: {  	s0 =	sadd.s32 $0x8F2B, s0  }
0xc1: {  	[sflag:s0] =	ssyncadd.remote.s32 $0x1  }
0xc2: {  	_ =	sfence.sel $0xFFFF  }
0xc3: {  	[dreg:$0x0] =	wrdreg $0xFFFFFFFF;
	(pc) =	sbr.abs _section_cstart, $3  }
0xc4: {  	[dreg:$0x1] =	wrdreg $0xFFFFFFFF  }
0xc5: {  	_ =	task.clear_ibuf [dreg:s9], $0x2FFFF;
	_ =	strace $0x9FFFFFFF  }
0xc6: {  	(tm) =	ssettm $0x7FFFFFFF  }
0xc7: {  	_ =	shalt  }
tec
execute0_lowered:
.L_overlay_start_1:
0x0: {  	(tag) =	ssettag $0x1  }
0x1: {  	s0 =	rddreg [dreg:$0x0]  }
0x2: {  	s1 =	rddreg [dreg:$0x1]  }
0x3: {  	s4 =	rddreg [dreg:$0x2]  }
0x4: {  	s5 =	rddreg [dreg:$0x3]  }
0x5: {  	s2 =	simm.s32 $0x0;
	s15 =	stileid.u32;
	s7 =	srdreg.scid  }
0x6: {  	s28 =	simm.s32 $0x8800;
	s29 =	simm.s32 $0x9000;
	s30 =	simm.s32 $0x9800  }
0x7: {  	s31 =	simm.s32 $0xA000;
	[smem:$0x7FF] =	sst s2;
	s3 =	sadd.s32 $0x10600, s4  }
0x8: {  	s6 =	sadd.s32 $0x600, s4;
	s8 =	sshll.u32 s15, $0x1;
	s9 =	sshrl.u32 s15, $0x3  }
0x9: {  	s11 =	sand.u32 $0x1, s7;
	s24 =	sand.u32 $0x7, s15;
	_ =	strace $0x80000047  }
0xa: {  	s13 =	sand.u32 $0xE, s8;
	s14 =	sshll.u32 s9, $0x16;
	s10 =	ssub.s32 $0x2, s11  }
0xb: {  	s9 =	sshll.u32 s9, $0xD;
	s25 =	sshll.u32 s24, $0xE;
	s26 =	sshll.u32 s11, $0xD  }
0xc: {  	s24 =	simm.s32 $0x2000;
	s7 =	sor.u32 s11, s13;
	s12 =	sshrl.u32 s10, $0x1  }
0xd: {  	s4 =	sadd.s32 s14, s4;
	s13 =	sshll.u32 s7, $0x7;
	s18 =	sshll.u32 s7, $0xC  }
0xe: {  	s14 =	ssub.s32 s10, s12;
	s16 =	sor.u32 s9, s13;
	s19 =	sadd.s32 s5, s18  }
0xf: {  	s20 =	sadd.s32 s6, s18;
	s21 =	sor.u32 $0x400, s18;
	s23 =	sor.u32 $0x800, s18  }
0x10: {  	s14 =	smax.u32 s14, $0x1;
	s0 =	sadd.s32 s0, s16;
	[dreg:$0x7] =	wrdreg s19  }
0x11: {  	s17 =	sadd.s32 s1, s16;
	[dreg:$0x8] =	wrdreg s20;
	s22 =	sadd.s32 s5, s21  }
0x12: {  	s9 =	sadd.s32 s6, s21;
	s10 =	sadd.s32 s5, s23;
	s1 =	sadd.s32 s25, s4  }
0x13: {  	s11 =	sadd.s32 s6, s23;
	s16 =	simm.s32 $0x400;
	s20 =	simm.s32 $0x6000  }
0x14: {  	s21 =	simm.s32 $0x6800;
	s23 =	simm.s32 $0x7800;
	[dreg:$0x5] =	wrdreg s0  }
0x15: {  	s25 =	simm.s32 $0x1;
	s19 =	simm.s32 $0x0;
	[dreg:$0x6] =	wrdreg s17  }
0x16: {  	[dreg:$0x9] =	wrdreg s22;
	s0 =	sor.u32 $0xC00, s18;
	s1 =	sadd.s32 s26, s1  }
0x17: {  	v2 =	vlaneseq.u32;
	s17 =	simm.s32 $0x4000;
	s18 =	simm.s32 $0x3;
	s22 =	simm.s32 $0x7000  }
0x18: {  	vm0 =	vmmov $0xffff;
	v1 =	vshrl.u32 v2, $0x3;
	s26 =	simm.s32 $0x8000;
	s12 =	sadd.s32 s5, s0;
	s13 =	sadd.s32 s6, s0  }
0x19: {  	v0 =	vand.u32 $0x7, v2;
	v2 =	vor.u32 $0x8, v2;
	v1 =	vmul.u32 $0x8, v1;
	s15 =	sadd.s32 $0x18C00, s1;
	s0 =	simm.s32 $0xE000;
	s1 =	simm.s32 $0x2  }
.LBB2_1:
0x1a: {  	s4 =	rddreg [dreg:$0x5]  }
0x1b: {  	[tilespmem:s2], [sflag:$0x3] =	stream.strided.gather [hbm4b:s4+s16], $0x1000, s17, s16, $0x38;
	[tilespmem:$0x12000] =	vst v63  }
0x1c: {  	_ =	swait.ge [sflag:s18], $0x1000  }
0x1d: {  	[sflag:s18] =	ssyncset.done $0x0  }
0x1e: {  	s5 =	simm.s32 $0x1000;
	s8 =	rddreg [dreg:$0x6];
	[sflag:s18] =	ssyncadd.s32 $0xFFFFF000  }
0x1f: {  	[tilespmem:s5], [sflag:$0x3] =	stream.strided.gather [hbm4b:s8+s16], $0x1000, s17, s16, $0x38;
	[tilespmem:$0x12000] =	vst v63  }
0x20: {  	_ =	swait.ge [sflag:s18], $0x1000  }
0x21: {  	[sflag:s18] =	ssyncset.done $0x0  }
0x22: {  	s4 =	simm.s32 $0x0;
	[sflag:s18] =	ssyncadd.s32 $0xFFFFF000  }
0x23: {  	v9 =	vld [tilespmem:s4+$0x1000]  }
0x24: {  	v14 =	vld [tilespmem:s4+$0x1010]  }
0x25: {  	v8 =	vld [tilespmem:s4+$0x1020]  }
0x26: {  	v7 =	vld [tilespmem:s4+$0x1030]  }
0x27: {  	v6 =	vld [tilespmem:s4+$0x1040]  }
0x28: {  	v5 =	vld [tilespmem:s4+$0x1050]  }
0x29: {  	v4 =	vld [tilespmem:s4+$0x1060]  }
0x2a: {  	v3 =	vld [tilespmem:s4+$0x1070]  }
0x2b: {  	v13 =	vld [tilespmem:s4+$0x0]  }
0x2c: {  	v12 =	vld [tilespmem:s4+$0x10]  }
0x2d: {  	v11 =	vld [tilespmem:s4+$0x20]  }
0x2e: {  	v10 =	vld [tilespmem:s4+$0x30];
	v15 =	vmul.u32 $0x213, v9  }
0x2f: {  	s5 =	simm.s32 $0x200;
	v14 =	vmul.u32 $0x213, v14;
	v9 =	vld [tilespmem:s4+$0x40]  }
.LBB2_2:
0x30: {  	p0 =	sne.s32 s5, $0x3E00;
	v13 =	vadd.s32 v13, v15;
	v8 =	vmul.u32 $0x213, v8;
	v15 =	vld [tilespmem:s4+$0x50]  }
0x31: {  	v7 =	vmul.u32 $0x213, v7;
	[tilespmem:s4+$0x0] =	vst v13;
	v12 =	vadd.s32 v12, v14;
	v13 =	vld [tilespmem:s4+$0x60]  }
0x32: {  	s6 =	sshra.s32 s5, $0x2;
	v6 =	vmul.u32 $0x213, v6;
	[tilespmem:s4+$0x10] =	vst v12;
	v8 =	vadd.s32 v11, v8;
	v11 =	vld [tilespmem:s4+$0x70]  }
0x33: {  	v5 =	vmul.u32 $0x213, v5;
	v14 =	vld [tilespmem:s6+$0x1000];
	[tilespmem:s4+$0x20] =	vst v8;
	v7 =	vadd.s32 v10, v7  }
0x34: {  	v4 =	vmul.u32 $0x213, v4;
	v16 =	vld [tilespmem:s6+$0x1010];
	[tilespmem:s4+$0x30] =	vst v7;
	v6 =	vadd.s32 v9, v6  }
0x35: {  	v3 =	vmul.u32 $0x213, v3;
	v8 =	vld [tilespmem:s6+$0x1020];
	[tilespmem:s4+$0x40] =	vst v6;
	v5 =	vadd.s32 v15, v5  }
0x36: {  	v7 =	vld [tilespmem:s6+$0x1030];
	[tilespmem:s4+$0x50] =	vst v5;
	v4 =	vadd.s32 v13, v4  }
0x37: {  	v6 =	vld [tilespmem:s6+$0x1040];
	[tilespmem:s4+$0x60] =	vst v4;
	v3 =	vadd.s32 v11, v3  }
0x38: {  	v5 =	vld [tilespmem:s6+$0x1050];
	[tilespmem:s4+$0x70] =	vst v3;
	s4 =	smov.u32 s6  }
0x39: {  	v4 =	vld [tilespmem:s4+$0x1060]  }
0x3a: {  	v3 =	vld [tilespmem:s4+$0x1070]  }
.Ltmp0:
0x3b: {  	v13 =	vld [tilespmem:s4+$0x0];
	(pc) =	sbr.rel @p0 .LBB2_2-.Ltmp0, $4  }
0x3c: {  	v12 =	vld [tilespmem:s4+$0x10]  }
0x3d: {  	v11 =	vld [tilespmem:s4+$0x20]  }
0x3e: {  	v15 =	vmul.u32 $0x213, v14;
	v10 =	vld [tilespmem:s4+$0x30]  }
0x3f: {  	s5 =	sadd.s32 $0x200, s5;
	v14 =	vmul.u32 $0x213, v16;
	v9 =	vld [tilespmem:s4+$0x40]  }
0x40: {  	v13 =	vadd.s32 v13, v15;
	v59 =	vld [tilespmem:s4+$0x50];
	v8 =	vmul.u32 $0x213, v8  }
0x41: {  	v60 =	vld [tilespmem:s4+$0x60];
	v7 =	vmul.u32 $0x213, v7;
	[tilespmem:s4+$0x0] =	vst v13;
	v12 =	vadd.s32 v12, v14  }
0x42: {  	v6 =	vmul.u32 $0x213, v6;
	[tilespmem:s4+$0x10] =	vst v12;
	v8 =	vadd.s32 v11, v8  }
0x43: {  	v5 =	vmul.u32 $0x213, v5;
	[tilespmem:s4+$0x20] =	vst v8;
	v7 =	vadd.s32 v10, v7  }
0x44: {  	v4 =	vmul.u32 $0x213, v4;
	[tilespmem:s4+$0x30] =	vst v7;
	v6 =	vadd.s32 v9, v6  }
0x45: {  	[tilespmem:s4+$0x40] =	vst v6;
	v5 =	vadd.s32 v59, v5  }
0x46: {  	v4 =	vadd.s32 v60, v4;
	[tilespmem:s4+$0x50] =	vst v5  }
0x47: {  	[tilespmem:s4+$0x60] =	vst v4  }
0x48: {  	v4 =	vld [tilespmem:$0x0];
	_ =	sdelay $0x4  }
0x49: {  	v62 =	vshll.u32 v4, $0x1  }
0x4a: {  	v4 =	vand.u32 $0x7, v4;
	v5 =	vand.u32 $0xFFFFFFF0, v62  }
0x4b: {  	v4 =	vor.u32 v4, v5  }
0x4c: {  	v61 =	vld [tilespmem:s4+$0x70];
	v5 =	vperm.xlane v4, v0;
	_ =	sdelay $0x1  }
0x4d: {  	v4 =	vperm.xlane v4, v2;
	v5 =	vadd.s32 v1, v5  }
0x4e: {  	v3 =	vmul.u32 $0x213, v3  }
0x4f: {  	v4 =	vadd.s32 v1, v4  }
0x50: {  	v3 =	vadd.s32 v61, v3  }
0x51: {  	[tilespmem:s4+$0x70] =	vst v3;
	s4 =	simm.s32 $0x0  }
0x52: {  	[tilespmem:s20], [sflag:$0x1] =	stream.indirect_vreg.gather [hbm4b:s3+s4], $0x80, v5, vm0, $0xb8;
	[tilespmem:$0x12000] =	vst v63  }
0x53: {  	_ = 	snop  }
0x54: {  	[tilespmem:s21], [sflag:$0x1] =	stream.indirect_vreg.gather [hbm4b:s3+s4], $0x80, v4, vm0, $0xb8;
	[tilespmem:$0x12000] =	vst v63  }
0x55: {  	v3 =	vld [tilespmem:$0x10];
	_ =	sdelay $0x4  }
0x56: {  	v63 =	vshll.u32 v3, $0x1  }
0x57: {  	v3 =	vand.u32 $0x7, v3;
	v4 =	vand.u32 $0xFFFFFFF0, v63  }
0x58: {  	v3 =	vor.u32 v3, v4  }
0x59: {  	v4 =	vperm.xlane v3, v0;
	_ =	sdelay $0x1  }
0x5a: {  	v3 =	vperm.xlane v3, v2;
	v4 =	vadd.s32 v1, v4;
	_ =	sdelay $0x1  }
0x5b: {  	v3 =	vadd.s32 v1, v3;
	_ =	sdelay $0x2  }
0x5c: {  	[tilespmem:s22], [sflag:$0x1] =	stream.indirect_vreg.gather [hbm4b:s3+s4], $0x80, v4, vm0, $0xb8;
	[tilespmem:$0x12000] =	vst v63  }
0x5d: {  	_ = 	snop  }
0x5e: {  	[tilespmem:s23], [sflag:$0x1] =	stream.indirect_vreg.gather [hbm4b:s3+s4], $0x80, v3, vm0, $0xb8;
	[tilespmem:$0x12000] =	vst v63  }
0x5f: {  	s5 =	rddreg [dreg:$0x7]  }
0x60: {  	[tilespmem:s24], [sflag:$0x3] =	stream.linear.gather [hbm4b:s5+s4], $0x2000, $0x38;
	[tilespmem:$0x12000] =	vst v63  }
0x61: {  	_ =	swait.ge [sflag:s18], $0x2000  }
0x62: {  	[sflag:s18] =	ssyncset.done $0x0  }
0x63: {  	s8 =	rddreg [dreg:$0x8];
	[sflag:s18] =	ssyncadd.s32 $0xFFFFE000  }
0x64: {  	[tilespmem:s17], [sflag:$0x3] =	stream.linear.gather [hbm4b:s8+s4], $0x2000, $0x38;
	[tilespmem:$0x12000] =	vst v63  }
0x65: {  	_ =	swait.ge [sflag:s18], $0x2000  }
0x66: {  	[sflag:s18] =	ssyncset.done $0x0  }
0x67: {  	s5 =	simm.s32 $0x90;
	[sflag:s18] =	ssyncadd.s32 $0xFFFFE000  }
.LBB2_4:
0x68: {  	_ =	swait.ge [sflag:s25], $0x2000  }
0x69: {  	[sflag:s25] =	ssyncset.done $0x0  }
0x6a: {  	[sflag:s25] =	ssyncadd.s32 $0xFFFFE000  }
0x6b: {  	v3 =	vld [tilespmem:s5+$0xFFFFFFF0];
	_ =	sdelay $0x4  }
0x6c: {  	v4 =	vshll.u32 v3, $0x1  }
0x6d: {  	v3 =	vand.u32 $0x7, v3;
	v4 =	vand.u32 $0xFFFFFFF0, v4  }
0x6e: {  	v3 =	vor.u32 v3, v4  }
0x6f: {  	v4 =	vperm.xlane v3, v0;
	_ =	sdelay $0x1  }
0x70: {  	v3 =	vperm.xlane v3, v2;
	v4 =	vadd.s32 v1, v4;
	_ =	sdelay $0x1  }
0x71: {  	v3 =	vadd.s32 v1, v3;
	_ =	sdelay $0x2  }
0x72: {  	[tilespmem:s26], [sflag:$0x1] =	stream.indirect_vreg.gather [hbm4b:s3+s2], $0x80, v4, vm0, $0xb8;
	[tilespmem:$0x12000] =	vst v63  }
0x73: {  	_ = 	snop  }
0x74: {  	[tilespmem:s28], [sflag:$0x1] =	stream.indirect_vreg.gather [hbm4b:s3+s2], $0x80, v3, vm0, $0xb8;
	[tilespmem:$0x12000] =	vst v63  }
0x75: {  	v3 =	vld [tilespmem:s5+$0x0];
	_ =	sdelay $0x4  }
0x76: {  	v63 =	vshll.u32 v3, $0x1  }
0x77: {  	v3 =	vand.u32 $0x7, v3;
	v4 =	vand.u32 $0xFFFFFFF0, v63  }
0x78: {  	v3 =	vor.u32 v3, v4  }
0x79: {  	v4 =	vperm.xlane v3, v0;
	_ =	sdelay $0x1  }
0x7a: {  	v3 =	vperm.xlane v3, v2;
	v4 =	vadd.s32 v1, v4;
	_ =	sdelay $0x1  }
0x7b: {  	v3 =	vadd.s32 v1, v3;
	_ =	sdelay $0x1  }
0x7c: {  	p0 =	seq.s32 s4, $0x0  }
0x7d: {  	[tilespmem:s29], [sflag:$0x1] =	stream.indirect_vreg.gather [hbm4b:s3+s2], $0x80, v4, vm0, $0xb8;
	[tilespmem:$0x12000] =	vst v63  }
0x7e: {  	s6 =	simm.s32 @!p0 $0x2  }
0x7f: {  	[tilespmem:s30], [sflag:$0x1] =	stream.indirect_vreg.gather [hbm4b:s3+s2], $0x80, v3, vm0, $0xb8;
	[tilespmem:$0x12000] =	vst v63  }
0x80: {  	_ =	swait.ge @!p0 [sflag:s6], $0x4000  }
0x81: {  	[sflag:s6] =	ssyncset.done @!p0 $0x0  }
0x82: {  	[sflag:s6] =	ssyncadd.s32 @!p0 $0xFFFFC000;
	s6 =	sadd.s32 s4, s15  }
0x83: {  	[hbm4b:s6+s2] =	stream.linear.scatter [tilespmem:s31], [sflag:$0x2], $0x4000, $0x38;
	[tilespmem:$0x12000] =	vst v63  }
0x84: {  	_ =	swait.ge [sflag:s25], $0x2000  }
0x85: {  	[sflag:s25] =	ssyncset.done $0x0  }
0x86: {  	p0 =	seq.s32 s4, $0x3C0000;
	[sflag:s25] =	ssyncadd.s32 $0xFFFFE000  }
0x87: {  	v3 =	vld @!p0 [tilespmem:s5+$0x70];
	_ =	sdelay $0x4  }
0x88: {  	v4 =	vshll.u32 @!p0 v3, $0x1  }
0x89: {  	v5 =	vlaneseq.u32 @!p0;
	v3 =	vand.u32 @!p0 $0x7, v3;
	v4 =	vand.u32 @!p0 $0xFFFFFFF0, v4  }
0x8a: {  	v6 =	vshrl.u32 @!p0 v5, $0x3;
	v3 =	vor.u32 @!p0 v3, v4;
	v4 =	vand.u32 @!p0 $0x7, v5  }
0x8b: {  	v6 =	vmul.u32 @!p0 $0x8, v6;
	v7 =	vperm.xlane @!p0 v3, v4  }
0x8c: {  	v5 =	vor.u32 @!p0 $0x8, v5  }
0x8d: {  	v3 =	vperm.xlane @!p0 v3, v5;
	v7 =	vadd.s32 @!p0 v6, v7;
	_ =	sdelay $0x1  }
0x8e: {  	v3 =	vadd.s32 @!p0 v6, v3;
	_ =	sdelay $0x1  }
0x8f: {  	vm1 =	vmmov @!p0 $0xffff;
	s7 =	simm.s32 @!p0 $0x0;
	s8 =	simm.s32 @!p0 $0x6000  }
0x90: {  	[tilespmem:s8], [sflag:$0x1] =	stream.indirect_vreg.gather @!p0 [hbm4b:s3+s7], $0x80, v7, vm1, $0xb8;
	[tilespmem:$0x12000] =	vst v63  }
0x91: {  	s8 =	simm.s32 @!p0 $0x6800  }
0x92: {  	[tilespmem:s8], [sflag:$0x1] =	stream.indirect_vreg.gather @!p0 [hbm4b:s3+s7], $0x80, v3, vm1, $0xb8;
	[tilespmem:$0x12000] =	vst v63  }
0x93: {  	v3 =	vld @!p0 [tilespmem:s5+$0x80];
	_ =	sdelay $0x4  }
0x94: {  	v7 =	vshll.u32 @!p0 v3, $0x1  }
0x95: {  	v3 =	vand.u32 @!p0 $0x7, v3;
	v7 =	vand.u32 @!p0 $0xFFFFFFF0, v7  }
0x96: {  	v3 =	vor.u32 @!p0 v3, v7  }
0x97: {  	v4 =	vperm.xlane @!p0 v3, v4;
	_ =	sdelay $0x1  }
0x98: {  	v3 =	vperm.xlane @!p0 v3, v5;
	v4 =	vadd.s32 @!p0 v6, v4;
	_ =	sdelay $0x1  }
0x99: {  	v3 =	vadd.s32 @!p0 v6, v3;
	_ =	sdelay $0x1  }
0x9a: {  	s8 =	simm.s32 @!p0 $0x7000  }
0x9b: {  	[tilespmem:s8], [sflag:$0x1] =	stream.indirect_vreg.gather @!p0 [hbm4b:s3+s7], $0x80, v4, vm1, $0xb8;
	[tilespmem:$0x12000] =	vst v63  }
0x9c: {  	p1 =	seq.s32 @!p0 s4, $0x0;
	s8 =	simm.s32 @!p0 $0x7800  }
0x9d: {  	[tilespmem:s8], [sflag:$0x1] =	stream.indirect_vreg.gather @!p0 [hbm4b:s3+s7], $0x80, v3, vm1, $0xb8;
	[tilespmem:$0x12000] =	vst v63  }
0x9e: {  	p0 =	por p0, !p1  }
0x9f: {  	_ =	swait.ge @p0 [sflag:s1], $0x4000  }
0xa0: {  	s4 =	sadd.s32 $0x40000, s4;
	[sflag:s1] =	ssyncset.done @p0 $0x0  }
0xa1: {  	[sflag:s1] =	ssyncadd.s32 @p0 $0xFFFFC000;
	p0 =	sne.s32 s4, $0x400000  }
.Ltmp1:
0xa2: {  	_ = 	snop;
	(pc) =	sbr.rel @p0 .LBB2_4-.Ltmp1, $3  }
0xa3: {  	_ =	sdelay $0x1  }
0xa4: {  	s6 =	sadd.s32 $0x20000, s6;
	s5 =	sadd.s32 $0x100, s5  }
0xa5: {  	[hbm4b:s6+s2] =	stream.linear.scatter [tilespmem:s0], [sflag:$0x2], $0x4000, $0x38;
	[tilespmem:$0x12000] =	vst v63  }
0xa6: {  	_ =	swait.ge [sflag:s1], $0x4000  }
0xa7: {  	[sflag:s1] =	ssyncset.done $0x0  }
0xa8: {  	[sflag:s1] =	ssyncadd.s32 $0xFFFFC000  }
0xa9: {  	_ =	swait.ge [sflag:s1], $0x4000  }
0xaa: {  	[sflag:s1] =	ssyncset.done $0x0  }
0xab: {  	[sflag:s1] =	ssyncadd.s32 $0xFFFFC000  }
0xac: {  	v3 =	vld [tilespmem:$0x20];
	_ =	sdelay $0x4  }
0xad: {  	v4 =	vshll.u32 v3, $0x1  }
0xae: {  	v3 =	vand.u32 $0x7, v3;
	v4 =	vand.u32 $0xFFFFFFF0, v4  }
0xaf: {  	v3 =	vor.u32 v3, v4  }
0xb0: {  	v4 =	vperm.xlane v3, v0;
	_ =	sdelay $0x1  }
0xb1: {  	v3 =	vperm.xlane v3, v2;
	v4 =	vadd.s32 v1, v4;
	_ =	sdelay $0x1  }
0xb2: {  	v3 =	vadd.s32 v1, v3;
	_ =	sdelay $0x1  }
0xb3: {  	s4 =	simm.s32 $0x0  }
0xb4: {  	[tilespmem:s20], [sflag:$0x1] =	stream.indirect_vreg.gather [hbm4b:s3+s4], $0x80, v4, vm0, $0xb8;
	[tilespmem:$0x12000] =	vst v63  }
0xb5: {  	_ = 	snop  }
0xb6: {  	[tilespmem:s21], [sflag:$0x1] =	stream.indirect_vreg.gather [hbm4b:s3+s4], $0x80, v3, vm0, $0xb8;
	[tilespmem:$0x12000] =	vst v63  }
0xb7: {  	v3 =	vld [tilespmem:$0x30];
	_ =	sdelay $0x4  }
0xb8: {  	v63 =	vshll.u32 v3, $0x1  }
0xb9: {  	v3 =	vand.u32 $0x7, v3;
	v4 =	vand.u32 $0xFFFFFFF0, v63  }
0xba: {  	v3 =	vor.u32 v3, v4  }
0xbb: {  	v4 =	vperm.xlane v3, v0;
	_ =	sdelay $0x1  }
0xbc: {  	v3 =	vperm.xlane v3, v2;
	v4 =	vadd.s32 v1, v4;
	_ =	sdelay $0x1  }
0xbd: {  	v3 =	vadd.s32 v1, v3;
	_ =	sdelay $0x2  }
0xbe: {  	[tilespmem:s22], [sflag:$0x1] =	stream.indirect_vreg.gather [hbm4b:s3+s4], $0x80, v4, vm0, $0xb8;
	[tilespmem:$0x12000] =	vst v63  }
0xbf: {  	_ = 	snop  }
0xc0: {  	[tilespmem:s23], [sflag:$0x1] =	stream.indirect_vreg.gather [hbm4b:s3+s4], $0x80, v3, vm0, $0xb8;
	[tilespmem:$0x12000] =	vst v63  }
0xc1: {  	s5 =	rddreg [dreg:$0x9]  }
0xc2: {  	[tilespmem:s24], [sflag:$0x3] =	stream.linear.gather [hbm4b:s5+s4], $0x2000, $0x38;
	[tilespmem:$0x12000] =	vst v63  }
0xc3: {  	_ =	swait.ge [sflag:s18], $0x2000  }
0xc4: {  	[sflag:s18] =	ssyncset.done $0x0  }
0xc5: {  	[sflag:s18] =	ssyncadd.s32 $0xFFFFE000  }
0xc6: {  	[tilespmem:s17], [sflag:$0x3] =	stream.linear.gather [hbm4b:s9+s4], $0x2000, $0x38;
	[tilespmem:$0x12000] =	vst v63  }
0xc7: {  	_ =	swait.ge [sflag:s18], $0x2000  }
0xc8: {  	[sflag:s18] =	ssyncset.done $0x0  }
0xc9: {  	s5 =	simm.s32 $0x130;
	[sflag:s18] =	ssyncadd.s32 $0xFFFFE000  }
.LBB2_6:
0xca: {  	_ =	swait.ge [sflag:s25], $0x2000  }
0xcb: {  	[sflag:s25] =	ssyncset.done $0x0  }
0xcc: {  	[sflag:s25] =	ssyncadd.s32 $0xFFFFE000  }
0xcd: {  	v3 =	vld [tilespmem:s5+$0xFFFFFF70];
	_ =	sdelay $0x4  }
0xce: {  	v4 =	vshll.u32 v3, $0x1  }
0xcf: {  	v3 =	vand.u32 $0x7, v3;
	v4 =	vand.u32 $0xFFFFFFF0, v4  }
0xd0: {  	v3 =	vor.u32 v3, v4  }
0xd1: {  	v4 =	vperm.xlane v3, v0;
	_ =	sdelay $0x1  }
0xd2: {  	v3 =	vperm.xlane v3, v2;
	v4 =	vadd.s32 v1, v4;
	_ =	sdelay $0x1  }
0xd3: {  	v3 =	vadd.s32 v1, v3;
	_ =	sdelay $0x2  }
0xd4: {  	[tilespmem:s26], [sflag:$0x1] =	stream.indirect_vreg.gather [hbm4b:s3+s2], $0x80, v4, vm0, $0xb8;
	[tilespmem:$0x12000] =	vst v63  }
0xd5: {  	_ = 	snop  }
0xd6: {  	[tilespmem:s28], [sflag:$0x1] =	stream.indirect_vreg.gather [hbm4b:s3+s2], $0x80, v3, vm0, $0xb8;
	[tilespmem:$0x12000] =	vst v63  }
0xd7: {  	v3 =	vld [tilespmem:s5+$0xFFFFFF80];
	_ =	sdelay $0x4  }
0xd8: {  	v63 =	vshll.u32 v3, $0x1  }
0xd9: {  	v3 =	vand.u32 $0x7, v3;
	v4 =	vand.u32 $0xFFFFFFF0, v63  }
0xda: {  	v3 =	vor.u32 v3, v4  }
0xdb: {  	v4 =	vperm.xlane v3, v0;
	_ =	sdelay $0x1  }
0xdc: {  	v3 =	vperm.xlane v3, v2;
	v4 =	vadd.s32 v1, v4;
	_ =	sdelay $0x1  }
0xdd: {  	v3 =	vadd.s32 v1, v3;
	_ =	sdelay $0x1  }
0xde: {  	p0 =	seq.s32 s4, $0x0  }
0xdf: {  	[tilespmem:s29], [sflag:$0x1] =	stream.indirect_vreg.gather [hbm4b:s3+s2], $0x80, v4, vm0, $0xb8;
	[tilespmem:$0x12000] =	vst v63  }
0xe0: {  	s7 =	simm.s32 @!p0 $0x2  }
0xe1: {  	[tilespmem:s30], [sflag:$0x1] =	stream.indirect_vreg.gather [hbm4b:s3+s2], $0x80, v3, vm0, $0xb8;
	[tilespmem:$0x12000] =	vst v63  }
0xe2: {  	_ =	swait.ge @!p0 [sflag:s7], $0x4000  }
0xe3: {  	s6 =	sadd.s32 s4, s15;
	[sflag:s7] =	ssyncset.done @!p0 $0x0  }
0xe4: {  	s8 =	sadd.s32 $0x800, s6;
	[sflag:s7] =	ssyncadd.s32 @!p0 $0xFFFFC000  }
0xe5: {  	[hbm4b:s8+s2] =	stream.linear.scatter [tilespmem:s31], [sflag:$0x2], $0x4000, $0x38;
	[tilespmem:$0x12000] =	vst v63  }
0xe6: {  	_ =	swait.ge [sflag:s25], $0x2000  }
0xe7: {  	[sflag:s25] =	ssyncset.done $0x0  }
0xe8: {  	p0 =	seq.s32 s4, $0x3C0000;
	[sflag:s25] =	ssyncadd.s32 $0xFFFFE000  }
0xe9: {  	v3 =	vld @!p0 [tilespmem:s5+$0xFFFFFFF0];
	_ =	sdelay $0x4  }
0xea: {  	v4 =	vshll.u32 @!p0 v3, $0x1  }
0xeb: {  	v5 =	vlaneseq.u32 @!p0;
	v3 =	vand.u32 @!p0 $0x7, v3;
	v4 =	vand.u32 @!p0 $0xFFFFFFF0, v4  }
0xec: {  	v6 =	vshrl.u32 @!p0 v5, $0x3;
	v3 =	vor.u32 @!p0 v3, v4;
	v4 =	vand.u32 @!p0 $0x7, v5  }
0xed: {  	v6 =	vmul.u32 @!p0 $0x8, v6;
	v7 =	vperm.xlane @!p0 v3, v4  }
0xee: {  	v5 =	vor.u32 @!p0 $0x8, v5  }
0xef: {  	v3 =	vperm.xlane @!p0 v3, v5;
	v7 =	vadd.s32 @!p0 v6, v7;
	_ =	sdelay $0x1  }
0xf0: {  	v3 =	vadd.s32 @!p0 v6, v3;
	_ =	sdelay $0x1  }
0xf1: {  	vm1 =	vmmov @!p0 $0xffff;
	s7 =	simm.s32 @!p0 $0x0;
	s8 =	simm.s32 @!p0 $0x6000  }
0xf2: {  	[tilespmem:s8], [sflag:$0x1] =	stream.indirect_vreg.gather @!p0 [hbm4b:s3+s7], $0x80, v7, vm1, $0xb8;
	[tilespmem:$0x12000] =	vst v63  }
0xf3: {  	s8 =	simm.s32 @!p0 $0x6800  }
0xf4: {  	[tilespmem:s8], [sflag:$0x1] =	stream.indirect_vreg.gather @!p0 [hbm4b:s3+s7], $0x80, v3, vm1, $0xb8;
	[tilespmem:$0x12000] =	vst v63  }
0xf5: {  	v3 =	vld @!p0 [tilespmem:s5+$0x0];
	_ =	sdelay $0x4  }
0xf6: {  	v7 =	vshll.u32 @!p0 v3, $0x1  }
0xf7: {  	v3 =	vand.u32 @!p0 $0x7, v3;
	v7 =	vand.u32 @!p0 $0xFFFFFFF0, v7  }
0xf8: {  	v3 =	vor.u32 @!p0 v3, v7  }
0xf9: {  	v4 =	vperm.xlane @!p0 v3, v4;
	_ =	sdelay $0x1  }
0xfa: {  	v3 =	vperm.xlane @!p0 v3, v5;
	v4 =	vadd.s32 @!p0 v6, v4;
	_ =	sdelay $0x1  }
0xfb: {  	v3 =	vadd.s32 @!p0 v6, v3;
	_ =	sdelay $0x1  }
0xfc: {  	s8 =	simm.s32 @!p0 $0x7000  }
0xfd: {  	[tilespmem:s8], [sflag:$0x1] =	stream.indirect_vreg.gather @!p0 [hbm4b:s3+s7], $0x80, v4, vm1, $0xb8;
	[tilespmem:$0x12000] =	vst v63  }
0xfe: {  	p1 =	seq.s32 @!p0 s4, $0x0;
	s8 =	simm.s32 @!p0 $0x7800  }
0xff: {  	[tilespmem:s8], [sflag:$0x1] =	stream.indirect_vreg.gather @!p0 [hbm4b:s3+s7], $0x80, v3, vm1, $0xb8;
	[tilespmem:$0x12000] =	vst v63  }
0x100: {  	p0 =	por p0, !p1  }
0x101: {  	_ =	swait.ge @p0 [sflag:s1], $0x4000  }
0x102: {  	s4 =	sadd.s32 $0x40000, s4;
	[sflag:s1] =	ssyncset.done @p0 $0x0  }
0x103: {  	[sflag:s1] =	ssyncadd.s32 @p0 $0xFFFFC000;
	p0 =	sne.s32 s4, $0x400000  }
.Ltmp2:
0x104: {  	_ = 	snop;
	(pc) =	sbr.rel @p0 .LBB2_6-.Ltmp2, $3  }
0x105: {  	_ =	sdelay $0x1  }
0x106: {  	s6 =	sadd.s32 $0x20800, s6;
	s5 =	sadd.s32 $0x100, s5  }
0x107: {  	[hbm4b:s6+s2] =	stream.linear.scatter [tilespmem:s0], [sflag:$0x2], $0x4000, $0x38;
	[tilespmem:$0x12000] =	vst v63  }
0x108: {  	_ =	swait.ge [sflag:s1], $0x4000  }
0x109: {  	[sflag:s1] =	ssyncset.done $0x0  }
0x10a: {  	[sflag:s1] =	ssyncadd.s32 $0xFFFFC000  }
0x10b: {  	_ =	swait.ge [sflag:s1], $0x4000  }
0x10c: {  	[sflag:s1] =	ssyncset.done $0x0  }
0x10d: {  	[sflag:s1] =	ssyncadd.s32 $0xFFFFC000  }
0x10e: {  	v3 =	vld [tilespmem:$0x40];
	_ =	sdelay $0x4  }
0x10f: {  	v4 =	vshll.u32 v3, $0x1  }
0x110: {  	v3 =	vand.u32 $0x7, v3;
	v4 =	vand.u32 $0xFFFFFFF0, v4  }
0x111: {  	v3 =	vor.u32 v3, v4  }
0x112: {  	v4 =	vperm.xlane v3, v0;
	_ =	sdelay $0x1  }
0x113: {  	v3 =	vperm.xlane v3, v2;
	v4 =	vadd.s32 v1, v4;
	_ =	sdelay $0x1  }
0x114: {  	v3 =	vadd.s32 v1, v3;
	_ =	sdelay $0x1  }
0x115: {  	s4 =	simm.s32 $0x0  }
0x116: {  	[tilespmem:s20], [sflag:$0x1] =	stream.indirect_vreg.gather [hbm4b:s3+s4], $0x80, v4, vm0, $0xb8;
	[tilespmem:$0x12000] =	vst v63  }
0x117: {  	_ = 	snop  }
0x118: {  	[tilespmem:s21], [sflag:$0x1] =	stream.indirect_vreg.gather [hbm4b:s3+s4], $0x80, v3, vm0, $0xb8;
	[tilespmem:$0x12000] =	vst v63  }
0x119: {  	v3 =	vld [tilespmem:$0x50];
	_ =	sdelay $0x4  }
0x11a: {  	v63 =	vshll.u32 v3, $0x1  }
0x11b: {  	v3 =	vand.u32 $0x7, v3;
	v4 =	vand.u32 $0xFFFFFFF0, v63  }
0x11c: {  	v3 =	vor.u32 v3, v4  }
0x11d: {  	v4 =	vperm.xlane v3, v0;
	_ =	sdelay $0x1  }
0x11e: {  	v3 =	vperm.xlane v3, v2;
	v4 =	vadd.s32 v1, v4;
	_ =	sdelay $0x1  }
0x11f: {  	v3 =	vadd.s32 v1, v3;
	_ =	sdelay $0x2  }
0x120: {  	[tilespmem:s22], [sflag:$0x1] =	stream.indirect_vreg.gather [hbm4b:s3+s4], $0x80, v4, vm0, $0xb8;
	[tilespmem:$0x12000] =	vst v63  }
0x121: {  	_ = 	snop  }
0x122: {  	[tilespmem:s23], [sflag:$0x1] =	stream.indirect_vreg.gather [hbm4b:s3+s4], $0x80, v3, vm0, $0xb8;
	[tilespmem:$0x12000] =	vst v63  }
0x123: {  	_ = 	snop  }
0x124: {  	[tilespmem:s24], [sflag:$0x3] =	stream.linear.gather [hbm4b:s10+s4], $0x2000, $0x38;
	[tilespmem:$0x12000] =	vst v63  }
0x125: {  	_ =	swait.ge [sflag:s18], $0x2000  }
0x126: {  	[sflag:s18] =	ssyncset.done $0x0  }
0x127: {  	[sflag:s18] =	ssyncadd.s32 $0xFFFFE000  }
0x128: {  	[tilespmem:s17], [sflag:$0x3] =	stream.linear.gather [hbm4b:s11+s4], $0x2000, $0x38;
	[tilespmem:$0x12000] =	vst v63  }
0x129: {  	_ =	swait.ge [sflag:s18], $0x2000  }
0x12a: {  	[sflag:s18] =	ssyncset.done $0x0  }
0x12b: {  	s5 =	simm.s32 $0x150;
	[sflag:s18] =	ssyncadd.s32 $0xFFFFE000  }
.LBB2_8:
0x12c: {  	_ =	swait.ge [sflag:s25], $0x2000  }
0x12d: {  	[sflag:s25] =	ssyncset.done $0x0  }
0x12e: {  	[sflag:s25] =	ssyncadd.s32 $0xFFFFE000  }
0x12f: {  	v3 =	vld [tilespmem:s5+$0xFFFFFF70];
	_ =	sdelay $0x4  }
0x130: {  	v4 =	vshll.u32 v3, $0x1  }
0x131: {  	v3 =	vand.u32 $0x7, v3;
	v4 =	vand.u32 $0xFFFFFFF0, v4  }
0x132: {  	v3 =	vor.u32 v3, v4  }
0x133: {  	v4 =	vperm.xlane v3, v0;
	_ =	sdelay $0x1  }
0x134: {  	v3 =	vperm.xlane v3, v2;
	v4 =	vadd.s32 v1, v4;
	_ =	sdelay $0x1  }
0x135: {  	v3 =	vadd.s32 v1, v3;
	_ =	sdelay $0x2  }
0x136: {  	[tilespmem:s26], [sflag:$0x1] =	stream.indirect_vreg.gather [hbm4b:s3+s2], $0x80, v4, vm0, $0xb8;
	[tilespmem:$0x12000] =	vst v63  }
0x137: {  	_ = 	snop  }
0x138: {  	[tilespmem:s28], [sflag:$0x1] =	stream.indirect_vreg.gather [hbm4b:s3+s2], $0x80, v3, vm0, $0xb8;
	[tilespmem:$0x12000] =	vst v63  }
0x139: {  	v3 =	vld [tilespmem:s5+$0xFFFFFF80];
	_ =	sdelay $0x4  }
0x13a: {  	v63 =	vshll.u32 v3, $0x1  }
0x13b: {  	v3 =	vand.u32 $0x7, v3;
	v4 =	vand.u32 $0xFFFFFFF0, v63  }
0x13c: {  	v3 =	vor.u32 v3, v4  }
0x13d: {  	v4 =	vperm.xlane v3, v0;
	_ =	sdelay $0x1  }
0x13e: {  	v3 =	vperm.xlane v3, v2;
	v4 =	vadd.s32 v1, v4;
	_ =	sdelay $0x1  }
0x13f: {  	v3 =	vadd.s32 v1, v3;
	_ =	sdelay $0x1  }
0x140: {  	p0 =	seq.s32 s4, $0x0  }
0x141: {  	[tilespmem:s29], [sflag:$0x1] =	stream.indirect_vreg.gather [hbm4b:s3+s2], $0x80, v4, vm0, $0xb8;
	[tilespmem:$0x12000] =	vst v63  }
0x142: {  	s7 =	simm.s32 @!p0 $0x2  }
0x143: {  	[tilespmem:s30], [sflag:$0x1] =	stream.indirect_vreg.gather [hbm4b:s3+s2], $0x80, v3, vm0, $0xb8;
	[tilespmem:$0x12000] =	vst v63  }
0x144: {  	_ =	swait.ge @!p0 [sflag:s7], $0x4000  }
0x145: {  	s6 =	sadd.s32 s4, s15;
	[sflag:s7] =	ssyncset.done @!p0 $0x0  }
0x146: {  	s8 =	sadd.s32 $0x1000, s6;
	[sflag:s7] =	ssyncadd.s32 @!p0 $0xFFFFC000  }
0x147: {  	[hbm4b:s8+s2] =	stream.linear.scatter [tilespmem:s31], [sflag:$0x2], $0x4000, $0x38;
	[tilespmem:$0x12000] =	vst v63  }
0x148: {  	_ =	swait.ge [sflag:s25], $0x2000  }
0x149: {  	[sflag:s25] =	ssyncset.done $0x0  }
0x14a: {  	p0 =	seq.s32 s4, $0x3C0000;
	[sflag:s25] =	ssyncadd.s32 $0xFFFFE000  }
0x14b: {  	v3 =	vld @!p0 [tilespmem:s5+$0xFFFFFFF0];
	_ =	sdelay $0x4  }
0x14c: {  	v4 =	vshll.u32 @!p0 v3, $0x1  }
0x14d: {  	v5 =	vlaneseq.u32 @!p0;
	v3 =	vand.u32 @!p0 $0x7, v3;
	v4 =	vand.u32 @!p0 $0xFFFFFFF0, v4  }
0x14e: {  	v6 =	vshrl.u32 @!p0 v5, $0x3;
	v3 =	vor.u32 @!p0 v3, v4;
	v4 =	vand.u32 @!p0 $0x7, v5  }
0x14f: {  	v6 =	vmul.u32 @!p0 $0x8, v6;
	v7 =	vperm.xlane @!p0 v3, v4  }
0x150: {  	v5 =	vor.u32 @!p0 $0x8, v5  }
0x151: {  	v3 =	vperm.xlane @!p0 v3, v5;
	v7 =	vadd.s32 @!p0 v6, v7;
	_ =	sdelay $0x1  }
0x152: {  	v3 =	vadd.s32 @!p0 v6, v3;
	_ =	sdelay $0x1  }
0x153: {  	vm1 =	vmmov @!p0 $0xffff;
	s7 =	simm.s32 @!p0 $0x0;
	s8 =	simm.s32 @!p0 $0x6000  }
0x154: {  	[tilespmem:s8], [sflag:$0x1] =	stream.indirect_vreg.gather @!p0 [hbm4b:s3+s7], $0x80, v7, vm1, $0xb8;
	[tilespmem:$0x12000] =	vst v63  }
0x155: {  	s8 =	simm.s32 @!p0 $0x6800  }
0x156: {  	[tilespmem:s8], [sflag:$0x1] =	stream.indirect_vreg.gather @!p0 [hbm4b:s3+s7], $0x80, v3, vm1, $0xb8;
	[tilespmem:$0x12000] =	vst v63  }
0x157: {  	v3 =	vld @!p0 [tilespmem:s5+$0x0];
	_ =	sdelay $0x4  }
0x158: {  	v7 =	vshll.u32 @!p0 v3, $0x1  }
0x159: {  	v3 =	vand.u32 @!p0 $0x7, v3;
	v7 =	vand.u32 @!p0 $0xFFFFFFF0, v7  }
0x15a: {  	v3 =	vor.u32 @!p0 v3, v7  }
0x15b: {  	v4 =	vperm.xlane @!p0 v3, v4;
	_ =	sdelay $0x1  }
0x15c: {  	v3 =	vperm.xlane @!p0 v3, v5;
	v4 =	vadd.s32 @!p0 v6, v4;
	_ =	sdelay $0x1  }
0x15d: {  	v3 =	vadd.s32 @!p0 v6, v3;
	_ =	sdelay $0x1  }
0x15e: {  	s8 =	simm.s32 @!p0 $0x7000  }
0x15f: {  	[tilespmem:s8], [sflag:$0x1] =	stream.indirect_vreg.gather @!p0 [hbm4b:s3+s7], $0x80, v4, vm1, $0xb8;
	[tilespmem:$0x12000] =	vst v63  }
0x160: {  	p1 =	seq.s32 @!p0 s4, $0x0;
	s8 =	simm.s32 @!p0 $0x7800  }
0x161: {  	[tilespmem:s8], [sflag:$0x1] =	stream.indirect_vreg.gather @!p0 [hbm4b:s3+s7], $0x80, v3, vm1, $0xb8;
	[tilespmem:$0x12000] =	vst v63  }
0x162: {  	p0 =	por p0, !p1  }
0x163: {  	_ =	swait.ge @p0 [sflag:s1], $0x4000  }
0x164: {  	s4 =	sadd.s32 $0x40000, s4;
	[sflag:s1] =	ssyncset.done @p0 $0x0  }
0x165: {  	[sflag:s1] =	ssyncadd.s32 @p0 $0xFFFFC000;
	p0 =	sne.s32 s4, $0x400000  }
.Ltmp3:
0x166: {  	_ = 	snop;
	(pc) =	sbr.rel @p0 .LBB2_8-.Ltmp3, $3  }
0x167: {  	_ =	sdelay $0x1  }
0x168: {  	s6 =	sadd.s32 $0x21000, s6;
	s5 =	sadd.s32 $0x100, s5  }
0x169: {  	[hbm4b:s6+s2] =	stream.linear.scatter [tilespmem:s0], [sflag:$0x2], $0x4000, $0x38;
	[tilespmem:$0x12000] =	vst v63  }
0x16a: {  	_ =	swait.ge [sflag:s1], $0x4000  }
0x16b: {  	[sflag:s1] =	ssyncset.done $0x0  }
0x16c: {  	[sflag:s1] =	ssyncadd.s32 $0xFFFFC000  }
0x16d: {  	_ =	swait.ge [sflag:s1], $0x4000  }
0x16e: {  	[sflag:s1] =	ssyncset.done $0x0  }
0x16f: {  	[sflag:s1] =	ssyncadd.s32 $0xFFFFC000  }
0x170: {  	v3 =	vld [tilespmem:$0x60];
	_ =	sdelay $0x4  }
0x171: {  	v4 =	vshll.u32 v3, $0x1  }
0x172: {  	v3 =	vand.u32 $0x7, v3;
	v4 =	vand.u32 $0xFFFFFFF0, v4  }
0x173: {  	v3 =	vor.u32 v3, v4  }
0x174: {  	v4 =	vperm.xlane v3, v0;
	_ =	sdelay $0x1  }
0x175: {  	v3 =	vperm.xlane v3, v2;
	v4 =	vadd.s32 v1, v4;
	_ =	sdelay $0x1  }
0x176: {  	v3 =	vadd.s32 v1, v3;
	_ =	sdelay $0x1  }
0x177: {  	s4 =	simm.s32 $0x0  }
0x178: {  	[tilespmem:s20], [sflag:$0x1] =	stream.indirect_vreg.gather [hbm4b:s3+s4], $0x80, v4, vm0, $0xb8;
	[tilespmem:$0x12000] =	vst v63  }
0x179: {  	_ = 	snop  }
0x17a: {  	[tilespmem:s21], [sflag:$0x1] =	stream.indirect_vreg.gather [hbm4b:s3+s4], $0x80, v3, vm0, $0xb8;
	[tilespmem:$0x12000] =	vst v63  }
0x17b: {  	v3 =	vld [tilespmem:$0x70];
	_ =	sdelay $0x4  }
0x17c: {  	v63 =	vshll.u32 v3, $0x1  }
0x17d: {  	v3 =	vand.u32 $0x7, v3;
	v4 =	vand.u32 $0xFFFFFFF0, v63  }
0x17e: {  	v3 =	vor.u32 v3, v4  }
0x17f: {  	v4 =	vperm.xlane v3, v0;
	_ =	sdelay $0x1  }
0x180: {  	v3 =	vperm.xlane v3, v2;
	v4 =	vadd.s32 v1, v4;
	_ =	sdelay $0x1  }
0x181: {  	v3 =	vadd.s32 v1, v3;
	_ =	sdelay $0x2  }
0x182: {  	[tilespmem:s22], [sflag:$0x1] =	stream.indirect_vreg.gather [hbm4b:s3+s4], $0x80, v4, vm0, $0xb8;
	[tilespmem:$0x12000] =	vst v63  }
0x183: {  	_ = 	snop  }
0x184: {  	[tilespmem:s23], [sflag:$0x1] =	stream.indirect_vreg.gather [hbm4b:s3+s4], $0x80, v3, vm0, $0xb8;
	[tilespmem:$0x12000] =	vst v63  }
0x185: {  	_ = 	snop  }
0x186: {  	[tilespmem:s24], [sflag:$0x3] =	stream.linear.gather [hbm4b:s12+s4], $0x2000, $0x38;
	[tilespmem:$0x12000] =	vst v63  }
0x187: {  	_ =	swait.ge [sflag:s18], $0x2000  }
0x188: {  	[sflag:s18] =	ssyncset.done $0x0  }
0x189: {  	[sflag:s18] =	ssyncadd.s32 $0xFFFFE000  }
0x18a: {  	[tilespmem:s17], [sflag:$0x3] =	stream.linear.gather [hbm4b:s13+s4], $0x2000, $0x38;
	[tilespmem:$0x12000] =	vst v63  }
0x18b: {  	_ =	swait.ge [sflag:s18], $0x2000  }
0x18c: {  	[sflag:s18] =	ssyncset.done $0x0  }
0x18d: {  	s5 =	simm.s32 $0x170;
	[sflag:s18] =	ssyncadd.s32 $0xFFFFE000  }
.LBB2_10:
0x18e: {  	_ =	swait.ge [sflag:s25], $0x2000  }
0x18f: {  	[sflag:s25] =	ssyncset.done $0x0  }
0x190: {  	[sflag:s25] =	ssyncadd.s32 $0xFFFFE000  }
0x191: {  	v3 =	vld [tilespmem:s5+$0xFFFFFF70];
	_ =	sdelay $0x4  }
0x192: {  	v4 =	vshll.u32 v3, $0x1  }
0x193: {  	v3 =	vand.u32 $0x7, v3;
	v4 =	vand.u32 $0xFFFFFFF0, v4  }
0x194: {  	v3 =	vor.u32 v3, v4  }
0x195: {  	v4 =	vperm.xlane v3, v0;
	_ =	sdelay $0x1  }
0x196: {  	v3 =	vperm.xlane v3, v2;
	v4 =	vadd.s32 v1, v4;
	_ =	sdelay $0x1  }
0x197: {  	v3 =	vadd.s32 v1, v3;
	_ =	sdelay $0x2  }
0x198: {  	[tilespmem:s26], [sflag:$0x1] =	stream.indirect_vreg.gather [hbm4b:s3+s2], $0x80, v4, vm0, $0xb8;
	[tilespmem:$0x12000] =	vst v63  }
0x199: {  	_ = 	snop  }
0x19a: {  	[tilespmem:s28], [sflag:$0x1] =	stream.indirect_vreg.gather [hbm4b:s3+s2], $0x80, v3, vm0, $0xb8;
	[tilespmem:$0x12000] =	vst v63  }
0x19b: {  	v3 =	vld [tilespmem:s5+$0xFFFFFF80];
	_ =	sdelay $0x4  }
0x19c: {  	v63 =	vshll.u32 v3, $0x1  }
0x19d: {  	v3 =	vand.u32 $0x7, v3;
	v4 =	vand.u32 $0xFFFFFFF0, v63  }
0x19e: {  	v3 =	vor.u32 v3, v4  }
0x19f: {  	v4 =	vperm.xlane v3, v0;
	_ =	sdelay $0x1  }
0x1a0: {  	v3 =	vperm.xlane v3, v2;
	v4 =	vadd.s32 v1, v4;
	_ =	sdelay $0x1  }
0x1a1: {  	v3 =	vadd.s32 v1, v3;
	_ =	sdelay $0x1  }
0x1a2: {  	p0 =	seq.s32 s4, $0x0  }
0x1a3: {  	[tilespmem:s29], [sflag:$0x1] =	stream.indirect_vreg.gather [hbm4b:s3+s2], $0x80, v4, vm0, $0xb8;
	[tilespmem:$0x12000] =	vst v63  }
0x1a4: {  	s7 =	simm.s32 @!p0 $0x2  }
0x1a5: {  	[tilespmem:s30], [sflag:$0x1] =	stream.indirect_vreg.gather [hbm4b:s3+s2], $0x80, v3, vm0, $0xb8;
	[tilespmem:$0x12000] =	vst v63  }
0x1a6: {  	_ =	swait.ge @!p0 [sflag:s7], $0x4000  }
0x1a7: {  	s6 =	sadd.s32 s4, s15;
	[sflag:s7] =	ssyncset.done @!p0 $0x0  }
0x1a8: {  	s8 =	sadd.s32 $0x1800, s6;
	[sflag:s7] =	ssyncadd.s32 @!p0 $0xFFFFC000  }
0x1a9: {  	[hbm4b:s8+s2] =	stream.linear.scatter [tilespmem:s31], [sflag:$0x2], $0x4000, $0x38;
	[tilespmem:$0x12000] =	vst v63  }
0x1aa: {  	_ =	swait.ge [sflag:s25], $0x2000  }
0x1ab: {  	[sflag:s25] =	ssyncset.done $0x0  }
0x1ac: {  	p0 =	seq.s32 s4, $0x3C0000;
	[sflag:s25] =	ssyncadd.s32 $0xFFFFE000  }
0x1ad: {  	v3 =	vld @!p0 [tilespmem:s5+$0xFFFFFFF0];
	_ =	sdelay $0x4  }
0x1ae: {  	v4 =	vshll.u32 @!p0 v3, $0x1  }
0x1af: {  	v5 =	vlaneseq.u32 @!p0;
	v3 =	vand.u32 @!p0 $0x7, v3;
	v4 =	vand.u32 @!p0 $0xFFFFFFF0, v4  }
0x1b0: {  	v6 =	vshrl.u32 @!p0 v5, $0x3;
	v3 =	vor.u32 @!p0 v3, v4;
	v4 =	vand.u32 @!p0 $0x7, v5  }
0x1b1: {  	v6 =	vmul.u32 @!p0 $0x8, v6;
	v7 =	vperm.xlane @!p0 v3, v4  }
0x1b2: {  	v5 =	vor.u32 @!p0 $0x8, v5  }
0x1b3: {  	v3 =	vperm.xlane @!p0 v3, v5;
	v7 =	vadd.s32 @!p0 v6, v7;
	_ =	sdelay $0x1  }
0x1b4: {  	v3 =	vadd.s32 @!p0 v6, v3;
	_ =	sdelay $0x1  }
0x1b5: {  	vm1 =	vmmov @!p0 $0xffff;
	s7 =	simm.s32 @!p0 $0x0;
	s8 =	simm.s32 @!p0 $0x6000  }
0x1b6: {  	[tilespmem:s8], [sflag:$0x1] =	stream.indirect_vreg.gather @!p0 [hbm4b:s3+s7], $0x80, v7, vm1, $0xb8;
	[tilespmem:$0x12000] =	vst v63  }
0x1b7: {  	s8 =	simm.s32 @!p0 $0x6800  }
0x1b8: {  	[tilespmem:s8], [sflag:$0x1] =	stream.indirect_vreg.gather @!p0 [hbm4b:s3+s7], $0x80, v3, vm1, $0xb8;
	[tilespmem:$0x12000] =	vst v63  }
0x1b9: {  	v3 =	vld @!p0 [tilespmem:s5+$0x0];
	_ =	sdelay $0x4  }
0x1ba: {  	v7 =	vshll.u32 @!p0 v3, $0x1  }
0x1bb: {  	v3 =	vand.u32 @!p0 $0x7, v3;
	v7 =	vand.u32 @!p0 $0xFFFFFFF0, v7  }
0x1bc: {  	v3 =	vor.u32 @!p0 v3, v7  }
0x1bd: {  	v4 =	vperm.xlane @!p0 v3, v4;
	_ =	sdelay $0x1  }
0x1be: {  	v3 =	vperm.xlane @!p0 v3, v5;
	v4 =	vadd.s32 @!p0 v6, v4;
	_ =	sdelay $0x1  }
0x1bf: {  	v3 =	vadd.s32 @!p0 v6, v3;
	_ =	sdelay $0x1  }
0x1c0: {  	s8 =	simm.s32 @!p0 $0x7000  }
0x1c1: {  	[tilespmem:s8], [sflag:$0x1] =	stream.indirect_vreg.gather @!p0 [hbm4b:s3+s7], $0x80, v4, vm1, $0xb8;
	[tilespmem:$0x12000] =	vst v63  }
0x1c2: {  	p1 =	seq.s32 @!p0 s4, $0x0;
	s8 =	simm.s32 @!p0 $0x7800  }
0x1c3: {  	[tilespmem:s8], [sflag:$0x1] =	stream.indirect_vreg.gather @!p0 [hbm4b:s3+s7], $0x80, v3, vm1, $0xb8;
	[tilespmem:$0x12000] =	vst v63  }
0x1c4: {  	p0 =	por p0, !p1  }
0x1c5: {  	_ =	swait.ge @p0 [sflag:s1], $0x4000  }
0x1c6: {  	s4 =	sadd.s32 $0x40000, s4;
	[sflag:s1] =	ssyncset.done @p0 $0x0  }
0x1c7: {  	[sflag:s1] =	ssyncadd.s32 @p0 $0xFFFFC000;
	p0 =	sne.s32 s4, $0x400000  }
.Ltmp4:
0x1c8: {  	_ = 	snop;
	(pc) =	sbr.rel @p0 .LBB2_10-.Ltmp4, $3  }
0x1c9: {  	_ =	sdelay $0x1  }
0x1ca: {  	s6 =	sadd.s32 $0x21800, s6;
	s5 =	sadd.s32 $0x100, s5  }
0x1cb: {  	[hbm4b:s6+s2] =	stream.linear.scatter [tilespmem:s0], [sflag:$0x2], $0x4000, $0x38;
	[tilespmem:$0x12000] =	vst v63  }
0x1cc: {  	s19 =	sadd.s32 $0x1, s19  }
0x1cd: {  	_ =	swait.ge [sflag:s1], $0x4000;
	p0 =	sne.s32 s19, s14  }
.Ltmp5:
0x1ce: {  	[sflag:s1] =	ssyncset.done $0x0;
	(pc) =	sbr.rel @p0 .LBB2_1-.Ltmp5, $4  }
0x1cf: {  	[sflag:s1] =	ssyncadd.s32 $0xFFFFC000  }
0x1d0: {  	_ =	swait.ge [sflag:s1], $0x4000  }
0x1d1: {  	[sflag:s1] =	ssyncset.done $0x0  }
0x1d2: {  	[sflag:s1] =	ssyncadd.s32 $0xFFFFC000  }
0x1d3: {  	_ =	sfence.sel $0x180000  }
0x1d4: {  	[bflag:$0x0] =	sbarrier.arrive $0xFFFF  }
0x1d5: {  	_ =	strace $0x90000047  }
0x1d6: {  	s0 =	stileid.u32;
	[bflag:$0x2] =	sbarrier.arrive $0xFFFF  }
0x1d7: {  	p0 =	sne.s32 s0, $0x0;
	s0 =	rddreg [dreg:$0x4]  }
0x1d8: {  	s0 =	sadd.s32 @!p0 $0x100000, s0  }
0x1d9: {  	[sflag:s0] =	ssyncadd.tile.s32 @!p0 $0x1;
	_ =	shalt  }
.Lfunc_end2:
_tile_overlayer_lowered:
.L_overlay_start_2:
0x1da: {  	(tag) =	ssettag $0x2  }
0x1db: {  	s0 =	rddreg [dreg:$0x0];
	s2 =	stileid.u32  }
0x1dc: {  	s1 =	rddreg [dreg:$0x1];
	p0 =	sne.s32 s2, $0x0  }
0x1dd: {  	s3 =	rddreg [dreg:$0x2];
	[bflag:$0x3] =	sbarrier.arrive $0xFFFF;
	s2 =	simm.s32 @!p0 $0x1C03  }
0x1de: {  	[timem:s3], [sflag:s2] =	dma.local @!p0 [hbm:s0], s1  }
0x1df: {  	s0 =	simm.s32 @!p0 $0x3  }
0x1e0: {  	_ =	swait.ge @!p0 [sflag:s0], s1  }
0x1e1: {  	s1 =	ssub.s32 @!p0 $0x0, s1;
	[sflag:s0] =	ssyncset.done @!p0 $0x0  }
0x1e2: {  	[sflag:s0] =	ssyncadd.s32 @!p0 s1  }
0x1e3: {  	[bflag:$0x3] =	sbarrier.arrive $0xFFFF  }
0x1e4: {  	_ =	shalt  }

</sc_bundles>
